<compile_context>
chip_gen: v7x
topology: tpu7x:2x2x1
jax: 0.10.2.dev20260603
libtpu: 0.0.44.dev20260713+nightly
codegen_flags: <defaults>
</compile_context>

<pallas_src>
import functools
import math

import jax
import jax.numpy as jnp
from jax.experimental import pallas as pl
from jax.experimental.pallas import tpu as pltpu

_CUTOFF = 5.0
_K = 32
_HID = 128
_NG = 50
_NL = 6
_PROJ = 256
_RB = 256
_RBL = 128
_T = 512
_TG = 256
_NGP = 64
_EB = _RBL * _K
_NEG_BIG = -jnp.inf


def _ssp(x):
    return jnp.maximum(x, 0.0) + jnp.log1p(jnp.exp(-jnp.abs(x))) - math.log(2.0)



def _edge_kernel(scal_ref, posq_ref, posT_ref, sqT_ref, batq_ref, batT_ref,
                 topi_ref, dist_ref, *, np_, t, k):
    b = pl.program_id(0)
    rb = posq_ref.shape[0]
    posq = posq_ref[...]
    sqq = jnp.sum(posq * posq, axis=1, keepdims=True)
    batq = batq_ref[...]
    rowid = b * rb + jax.lax.broadcasted_iota(jnp.int32, (rb, 1), 0)
    lo = scal_ref[0, b]
    hi = scal_ref[1, b]
    kio = jax.lax.broadcasted_iota(jnp.int32, (1, k), 1)
    colio = jax.lax.broadcasted_iota(jnp.int32, (1, k + t), 1)
    bigi = jnp.int32(np_ + t + k + 7)

    def tile_body(c, carry):
        tv, ti = carry
        base = pl.multiple_of(c * t, t)
        post = posT_ref[:, pl.ds(base, t)]
        sqc = sqT_ref[:, pl.ds(base, t)]
        batc = batT_ref[:, pl.ds(base, t)]
        dot = jax.lax.dot_general(
            posq, post, (((1,), (0,)), ((), ())),
            preferred_element_type=jnp.float32,
            precision=jax.lax.Precision.HIGHEST)
        d2 = sqq + sqc - 2.0 * dot
        colid = base + jax.lax.broadcasted_iota(jnp.int32, (rb, t), 1)
        valid = (batq == batc) & (rowid != colid) & (d2 <= _CUTOFF * _CUTOFF)
        neg = jnp.where(valid, -d2, _NEG_BIG)
        cv = jnp.concatenate([tv, neg], axis=1)
        ci = jnp.concatenate([ti, colid], axis=1)

        def sel_body(s, sc):
            cv, ntv, nti = sc
            m = jnp.max(cv, axis=1, keepdims=True)
            ism = cv == m
            j = jnp.min(jnp.where(ism, colio, bigi), axis=1, keepdims=True)
            selm = colio == j
            oi = jnp.max(jnp.where(selm, ci, 0), axis=1, keepdims=True)
            smask = kio == s
            ntv = jnp.where(smask, m, ntv)
            nti = jnp.where(smask, oi, nti)
            cv = jnp.where(selm, _NEG_BIG, cv)
            return cv, ntv, nti

        _, tv2, ti2 = jax.lax.fori_loop(
            0, k, sel_body,
            (cv, jnp.full((rb, k), _NEG_BIG, jnp.float32),
             jnp.zeros((rb, k), jnp.int32)))
        return tv2, ti2

    tv, ti = jax.lax.fori_loop(
        lo, hi, tile_body,
        (jnp.full((rb, k), _NEG_BIG, jnp.float32),
         jnp.zeros((rb, k), jnp.int32)))
    maskb = tv > -1e30
    dist = jnp.where(maskb, jnp.sqrt(jnp.maximum(-tv, 0.0)), -1.0)
    topi_ref[...] = ti
    dist_ref[...] = dist


def _block_ranges(batch, n, np_, rb, tile):
    nblk = np_ // rb
    starts = jnp.searchsorted(batch, batch, side="left").astype(jnp.int32)
    ends = jnp.searchsorted(batch, batch, side="right").astype(jnp.int32)
    first = jnp.minimum(jnp.arange(nblk, dtype=jnp.int32) * rb, n - 1)
    last = jnp.minimum(jnp.arange(nblk, dtype=jnp.int32) * rb + rb - 1, n - 1)
    lo_t = starts[first] // tile
    hi_t = (ends[last] + tile - 1) // tile
    pad_blk = (jnp.arange(nblk, dtype=jnp.int32) * rb) >= n
    lo_t = jnp.where(pad_blk, 0, lo_t)
    hi_t = jnp.where(pad_blk, 0, hi_t)
    return jnp.stack([lo_t, hi_t]).astype(jnp.int32), nblk


def _build_edges(pos, batch, interpret=False):
    n = pos.shape[0]
    np_ = ((n + _T - 1) // _T) * _T
    posp = jnp.zeros((np_, 8), jnp.float32).at[:n, :3].set(pos)
    posp = posp.at[n:, 0].set(1e4)
    batf = jnp.full((np_,), -1.0, jnp.float32).at[:n].set(batch.astype(jnp.float32))
    sq = jnp.sum(posp * posp, axis=1)
    scal, nblk = _block_ranges(batch, n, np_, _RB, _T)

    grid_spec = pltpu.PrefetchScalarGridSpec(
        num_scalar_prefetch=1,
        grid=(nblk,),
        in_specs=[
            pl.BlockSpec((_RB, 8), lambda b, s: (b, 0)),
            pl.BlockSpec((8, np_), lambda b, s: (0, 0)),
            pl.BlockSpec((1, np_), lambda b, s: (0, 0)),
            pl.BlockSpec((_RB, 1), lambda b, s: (b, 0)),
            pl.BlockSpec((1, np_), lambda b, s: (0, 0)),
        ],
        out_specs=[
            pl.BlockSpec((_RB, _K), lambda b, s: (b, 0)),
            pl.BlockSpec((_RB, _K), lambda b, s: (b, 0)),
        ],
    )
    topi, dist = pl.pallas_call(
        functools.partial(_edge_kernel, np_=np_, t=_T, k=_K),
        grid_spec=grid_spec,
        out_shape=[
            jax.ShapeDtypeStruct((np_, _K), jnp.int32),
            jax.ShapeDtypeStruct((np_, _K), jnp.float32),
        ],
        interpret=interpret,
    )(scal, posp, posp.T, sq[None, :], batf[:, None], batf[None, :])
    return topi, dist, np_



def _split16(x):
    hi = x.astype(jnp.bfloat16)
    lo = (x - hi.astype(jnp.float32)).astype(jnp.bfloat16)
    return hi, lo


def _init_kernel(zq_ref, emb_ref, l1_ref, h_ref, x1h_ref, x1l_ref):
    zq = zq_ref[...]
    nv = emb_ref.shape[0]
    vio = jax.lax.broadcasted_iota(jnp.int32, (1, nv), 1)
    oh = (zq == vio).astype(jnp.float32)
    h = jax.lax.dot_general(oh, emb_ref[...], (((1,), (0,)), ((), ())),
                            preferred_element_type=jnp.float32,
                            precision=jax.lax.Precision.HIGHEST)
    h_ref[...] = h
    x1 = jax.lax.dot_general(h, l1_ref[...], (((1,), (0,)), ((), ())),
                             preferred_element_type=jnp.float32,
                             precision=jax.lax.Precision.HIGHEST)
    x1h_ref[...], x1l_ref[...] = _split16(x1)


def _init_h(z, emb, l1w, np_, nblk, interpret=False):
    n = z.shape[0]
    nvp = ((emb.shape[0] + 7) // 8) * 8
    embp = jnp.zeros((nvp, _HID), jnp.float32).at[:emb.shape[0]].set(emb)
    zp = jnp.zeros((np_, 1), jnp.int32).at[:n, 0].set(z.astype(jnp.int32))
    return pl.pallas_call(
        _init_kernel,
        grid=(nblk,),
        in_specs=[
            pl.BlockSpec((_RB, 1), lambda b: (b, 0)),
            pl.BlockSpec((nvp, _HID), lambda b: (0, 0)),
            pl.BlockSpec((_HID, _HID), lambda b: (0, 0)),
        ],
        out_specs=[
            pl.BlockSpec((_RB, _HID), lambda b: (b, 0)),
            pl.BlockSpec((_RB, _HID), lambda b: (b, 0)),
            pl.BlockSpec((_RB, _HID), lambda b: (b, 0)),
        ],
        out_shape=[
            jax.ShapeDtypeStruct((np_, _HID), jnp.float32),
            jax.ShapeDtypeStruct((np_, _HID), jnp.bfloat16),
            jax.ShapeDtypeStruct((np_, _HID), jnp.bfloat16),
        ],
        interpret=interpret,
    )(zp, embp, l1w)



def _layer_kernel(scal_ref, d_ref, ti_ref, h_ref, x1h_ref, x1l_ref, offs_ref,
                  w1_ref, b1_ref, w2_ref, b2_ref, l2w_ref, l2b_ref, lw_ref,
                  lb_ref, l1n_ref, hn_ref, x1nh_ref, x1nl_ref, *, coeff, t, k):
    b = pl.program_id(0)
    rb = h_ref.shape[0]
    hp = jax.lax.Precision.DEFAULT
    dd = jax.lax.Precision.DEFAULT
    ds = d_ref[...]
    maskb = ds >= 0.0
    d = jnp.where(maskb, ds, 1.0)
    cc = jnp.where(maskb, 0.5 * (jnp.cos(d * (math.pi / _CUTOFF)) + 1.0), 0.0)
    ea = jnp.exp(coeff * (d - offs_ref[...]) ** 2)
    tt = _ssp(jax.lax.dot_general(ea, w1_ref[...], (((1,), (0,)), ((), ())),
                                  preferred_element_type=jnp.float32,
                                  precision=hp) + b1_ref[...])
    w = jax.lax.dot_general(tt, w2_ref[...], (((1,), (0,)), ((), ())),
                            preferred_element_type=jnp.float32,
                            precision=hp) + b2_ref[...]
    w = w * cc
    ti = ti_ref[...]
    lo = scal_ref[0, b]
    hi = scal_ref[1, b]
    eb = ds.shape[0]

    def gbody(c, g):
        base = pl.multiple_of(c * t, t)
        x1th = x1h_ref[pl.ds(base, t), :]
        x1tl = x1l_ref[pl.ds(base, t), :]
        colio = base + jax.lax.broadcasted_iota(jnp.int32, (1, t), 1)
        oh = (ti == colio).astype(jnp.bfloat16)
        g = g + jax.lax.dot_general(oh, x1th, (((1,), (0,)), ((), ())),
                                    preferred_element_type=jnp.float32,
                                    precision=dd)
        g = g + jax.lax.dot_general(oh, x1tl, (((1,), (0,)), ((), ())),
                                    preferred_element_type=jnp.float32,
                                    precision=dd)
        return g

    g = jax.lax.fori_loop(lo, hi, gbody, jnp.zeros((eb, _HID), jnp.float32))
    msg = g * w
    agg = jnp.sum(msg.reshape(rb, k, _HID), axis=1)
    x3 = _ssp(jax.lax.dot_general(agg, l2w_ref[...], (((1,), (0,)), ((), ())),
                                  preferred_element_type=jnp.float32,
                                  precision=hp) + l2b_ref[...])
    hn = h_ref[...] + jax.lax.dot_general(x3, lw_ref[...], (((1,), (0,)), ((), ())),
                                          preferred_element_type=jnp.float32,
                                          precision=hp) + lb_ref[...]
    hn_ref[...] = hn
    x1n = jax.lax.dot_general(hn, l1n_ref[...], (((1,), (0,)), ((), ())),
                              preferred_element_type=jnp.float32,
                              precision=hp)
    x1nh_ref[...], x1nl_ref[...] = _split16(x1n)


def _layer(scal, d_e, ti_e, h, x1h, x1l, offs, w1, b1, w2, b2, l2w, l2b, lw, lb,
           l1n, coeff, np_, nblk, interpret=False):
    grid_spec = pltpu.PrefetchScalarGridSpec(
        num_scalar_prefetch=1,
        grid=(nblk,),
        in_specs=[
            pl.BlockSpec((_EB, 1), lambda b, s: (b, 0)),
            pl.BlockSpec((_EB, 1), lambda b, s: (b, 0)),
            pl.BlockSpec((_RBL, _HID), lambda b, s: (b, 0)),
            pl.BlockSpec((np_, _HID), lambda b, s: (0, 0)),
            pl.BlockSpec((np_, _HID), lambda b, s: (0, 0)),
            pl.BlockSpec((1, _NGP), lambda b, s: (0, 0)),
            pl.BlockSpec((_NGP, _HID), lambda b, s: (0, 0)),
            pl.BlockSpec((1, _HID), lambda b, s: (0, 0)),
            pl.BlockSpec((_HID, _HID), lambda b, s: (0, 0)),
            pl.BlockSpec((1, _HID), lambda b, s: (0, 0)),
            pl.BlockSpec((_HID, _HID), lambda b, s: (0, 0)),
            pl.BlockSpec((1, _HID), lambda b, s: (0, 0)),
            pl.BlockSpec((_HID, _HID), lambda b, s: (0, 0)),
            pl.BlockSpec((1, _HID), lambda b, s: (0, 0)),
            pl.BlockSpec((_HID, _HID), lambda b, s: (0, 0)),
        ],
        out_specs=[
            pl.BlockSpec((_RBL, _HID), lambda b, s: (b, 0)),
            pl.BlockSpec((_RBL, _HID), lambda b, s: (b, 0)),
            pl.BlockSpec((_RBL, _HID), lambda b, s: (b, 0)),
        ],
    )
    return pl.pallas_call(
        functools.partial(_layer_kernel, coeff=coeff, t=_TG, k=_K),
        grid_spec=grid_spec,
        out_shape=[
            jax.ShapeDtypeStruct((np_, _HID), jnp.float32),
            jax.ShapeDtypeStruct((np_, _HID), jnp.bfloat16),
            jax.ShapeDtypeStruct((np_, _HID), jnp.bfloat16),
        ],
        interpret=interpret,
    )(scal, d_e, ti_e, h, x1h, x1l, offs, w1, b1, w2, b2, l2w, l2b, lw, lb, l1n)



def _final_kernel(h_ref, pw_ref, pb_ref, g_ref, bb_ref, o_ref):
    y = jax.lax.dot_general(h_ref[...], pw_ref[...], (((1,), (0,)), ((), ())),
                            preferred_element_type=jnp.float32,
                            precision=jax.lax.Precision.HIGHEST) + pb_ref[...]
    mu = jnp.mean(y, axis=-1, keepdims=True)
    var = jnp.mean((y - mu) ** 2, axis=-1, keepdims=True)
    yn = (y - mu) / jnp.sqrt(var + 1e-5) * g_ref[...] + bb_ref[...]
    o_ref[...] = yn * jax.nn.sigmoid(yn)


def _final(h, pw, pb, g, bb, np_, nblk, interpret=False):
    return pl.pallas_call(
        _final_kernel,
        grid=(nblk,),
        in_specs=[
            pl.BlockSpec((_RB, _HID), lambda b: (b, 0)),
            pl.BlockSpec((_HID, _PROJ), lambda b: (0, 0)),
            pl.BlockSpec((1, _PROJ), lambda b: (0, 0)),
            pl.BlockSpec((1, _PROJ), lambda b: (0, 0)),
            pl.BlockSpec((1, _PROJ), lambda b: (0, 0)),
        ],
        out_specs=pl.BlockSpec((_RB, _PROJ), lambda b: (b, 0)),
        out_shape=jax.ShapeDtypeStruct((np_, _PROJ), jnp.float32),
        interpret=interpret,
    )(h, pw, pb[None, :], g[None, :], bb[None, :])



def _forward(z, pos, batch, emb, mlp_w1, mlp_b1, mlp_w2, mlp_b2, lin1_w,
             lin2_w, lin2_b, lin_w, lin_b, proj_w, proj_b, ln_g, ln_b,
             interpret=False):
    n = pos.shape[0]
    ng = mlp_w1.shape[1]
    offset = jnp.linspace(0.0, _CUTOFF, ng)
    import numpy as _np
    _step = float(_np.linspace(_np.float32(0.0), _np.float32(_CUTOFF), ng,
                               dtype=_np.float32)[1])
    coeff = -0.5 / _step ** 2
    offs = jnp.zeros((1, _NGP), jnp.float32).at[0, :ng].set(offset)

    topi, dist, np_ = _build_edges(pos, batch, interpret)
    nblk = np_ // _RB
    scal_l, nblk_l = _block_ranges(batch, n, np_, _RBL, _TG)
    d_e = dist.reshape(np_ * _K, 1)
    ti_e = topi.reshape(np_ * _K, 1)

    w1p = [jnp.zeros((_NGP, _HID), jnp.float32).at[:ng].set(mlp_w1[i])
           for i in range(_NL)]
    h, x1h, x1l = _init_h(z, emb, lin1_w[0], np_, nblk, interpret)
    for i in range(_NL):
        h, x1h, x1l = _layer(scal_l, d_e, ti_e, h, x1h, x1l, offs, w1p[i],
                             mlp_b1[i][None, :], mlp_w2[i], mlp_b2[i][None, :],
                             lin2_w[i], lin2_b[i][None, :], lin_w[i],
                             lin_b[i][None, :], lin1_w[(i + 1) % _NL],
                             coeff, np_, nblk_l, interpret)
    out = _final(h, proj_w, proj_b, ln_g, ln_b, np_, nblk, interpret)
    return out[:n], batch


def kernel(z, pos, batch, emb, mlp_w1, mlp_b1, mlp_w2, mlp_b2, lin1_w,
           lin2_w, lin2_b, lin_w, lin_b, proj_w, proj_b, ln_g, ln_b):
    return _forward(z, pos, batch, emb, mlp_w1, mlp_b1, mlp_w2, mlp_b2,
                    lin1_w, lin2_w, lin2_b, lin_w, lin_b, proj_w, proj_b,
                    ln_g, ln_b)

# --- scband reference (transcript-rebuilt; emitter-appended) ---
"""Pipeline reference for scband-sch-net-encoder-26079041421823 (READ-ONLY COPY).

The authoritative reference and input builder live on the scoring server;
editing this copy changes nothing except your own understanding.
"""

import jax, jax.numpy as jnp
import numpy as np

CUTOFF = 5.0
K = 32
HID = 128
NG = 50
NL = 6
PROJ = 256
N = 10000


def ssp(x):
    return jax.nn.softplus(x) - jnp.log(2.0)


def build_edges(pos, batch):
    n = pos.shape[0]
    sq = jnp.sum(pos * pos, axis=1)
    dist2 = sq[:, None] + sq[None, :] - 2.0 * (pos @ pos.T)
    same = batch[:, None] == batch[None, :]
    eye = jnp.eye(n, dtype=bool)
    valid = same & (~eye) & (dist2 <= CUTOFF * CUTOFF)
    neg = jnp.where(valid, -dist2, -jnp.inf)
    topv, topi = jax.lax.top_k(neg, K)
    mask = jnp.isfinite(topv).reshape(-1)
    src = topi.reshape(-1)
    dst = jnp.repeat(jnp.arange(n), K)
    return src, dst, mask


def schnet_forward(z, batch, src, dst, mask, pos, emb, mlp_w1, mlp_b1, mlp_w2, mlp_b2, lin1_w, lin2_w, lin2_b, lin_w, lin_b, proj_w, proj_b, ln_g, ln_b):
    n = pos.shape[0]
    d = pos[dst] - pos[src]
    dsq = jnp.sum(d * d, axis=-1)
    dist = jnp.sqrt(jnp.where(mask, dsq, 1.0))
    offset = jnp.linspace(0.0, CUTOFF, NG)
    coeff = -0.5 / (offset[1] - offset[0]) ** 2
    edge_attr = jnp.exp(coeff * (dist[:, None] - offset[None, :]) ** 2)
    C = jnp.where(mask, 0.5 * (jnp.cos(dist * jnp.pi / CUTOFF) + 1.0), 0.0)
    h = emb[z]
    for i in range(NL):
        W = ssp(edge_attr @ mlp_w1[i] + mlp_b1[i]) @ mlp_w2[i] + mlp_b2[i]
        W = W * C[:, None]
        x1 = h @ lin1_w[i]
        msg = x1[src] * W
        agg = jax.ops.segment_sum(msg, dst, num_segments=n)
        x3 = ssp(agg @ lin2_w[i] + lin2_b[i])
        h = h + x3 @ lin_w[i] + lin_b[i]
    y = h @ proj_w + proj_b
    mu = jnp.mean(y, axis=-1, keepdims=True)
    var = jnp.mean((y - mu) ** 2, axis=-1, keepdims=True)
    yn = (y - mu) / jnp.sqrt(var + 1e-5) * ln_g + ln_b
    return yn * jax.nn.sigmoid(yn)


def setup_inputs(seed: int = 0):
    key = jax.random.key(seed)
    ks = jax.random.split(key, 16)
    s = 0.05
    inp = {}
    inp["z"] = jax.random.randint(ks[0], (N,), 0, 100)
    inp["pos"] = jax.random.normal(ks[1], (N, 3), dtype=jnp.float32)
    inp["batch"] = jnp.sort(jax.random.randint(ks[2], (N,), 0, 64))
    inp["emb"] = jax.random.normal(ks[3], (100, HID), dtype=jnp.float32) * s
    inp["mlp_w1"] = jax.random.normal(ks[4], (NL, NG, HID), dtype=jnp.float32) * s
    inp["mlp_b1"] = jnp.zeros((NL, HID), jnp.float32)
    inp["mlp_w2"] = jax.random.normal(ks[5], (NL, HID, HID), dtype=jnp.float32) * s
    inp["mlp_b2"] = jnp.zeros((NL, HID), jnp.float32)
    inp["lin1_w"] = jax.random.normal(ks[6], (NL, HID, HID), dtype=jnp.float32) * s
    inp["lin2_w"] = jax.random.normal(ks[7], (NL, HID, HID), dtype=jnp.float32) * s
    inp["lin2_b"] = jnp.zeros((NL, HID), jnp.float32)
    inp["lin_w"] = jax.random.normal(ks[8], (NL, HID, HID), dtype=jnp.float32) * s
    inp["lin_b"] = jnp.zeros((NL, HID), jnp.float32)
    inp["proj_w"] = jax.random.normal(ks[9], (HID, PROJ), dtype=jnp.float32) * s
    inp["proj_b"] = jnp.zeros((PROJ,), jnp.float32)
    inp["ln_g"] = jnp.ones((PROJ,), jnp.float32)
    inp["ln_b"] = jnp.zeros((PROJ,), jnp.float32)
    return inp


def reference(z, pos, batch, emb, mlp_w1, mlp_b1, mlp_w2, mlp_b2, lin1_w, lin2_w, lin2_b, lin_w, lin_b, proj_w, proj_b, ln_g, ln_b):
    src, dst, mask = build_edges(pos, batch)
    out = schnet_forward(z, batch, src, dst, mask, pos, emb, mlp_w1, mlp_b1, mlp_w2, mlp_b2, lin1_w, lin2_w, lin2_b, lin_w, lin_b, proj_w, proj_b, ln_g, ln_b)
    return (out, batch)

if __name__ == "__main__":
    import jax
    _d = setup_inputs()
    print(jax.jit(kernel)(*tuple(_d.values())))

</pallas_src>

<mosaic_0001>
module attributes {stable_mosaic.version = 14 : i64} {
  func.func @_edge_kernel(%arg0: i32, %arg1: memref<2x40xi32, #tpu.memory_space<smem>>, %arg2: memref<256x8xf32, #tpu.memory_space<vmem>>, %arg3: memref<8x10240xf32, #tpu.memory_space<vmem>>, %arg4: memref<1x10240xf32, #tpu.memory_space<vmem>>, %arg5: memref<256x1xf32, #tpu.memory_space<vmem>>, %arg6: memref<1x10240xf32, #tpu.memory_space<vmem>>, %arg7: memref<256x32xi32, #tpu.memory_space<vmem>>, %arg8: memref<256x32xf32, #tpu.memory_space<vmem>>) attributes {dimension_semantics = [#tpu.dimension_semantics<arbitrary>], iteration_bounds = array<i64: 40>, scalar_prefetch = 1 : i64, scratch_operands = 0 : i64, tpu.core_type = #tpu.core_type<tc>, window_params = [{transform_indices = @transform_0, window_bounds = array<i64: 256, 8>}, {pipeline_mode = #tpu.pipeline_mode<synchronous>, transform_indices = @transform_1, window_bounds = array<i64: 8, 10240>}, {pipeline_mode = #tpu.pipeline_mode<synchronous>, transform_indices = @transform_2, window_bounds = array<i64: 1, 10240>}, {transform_indices = @transform_3, window_bounds = array<i64: 256, 1>}, {pipeline_mode = #tpu.pipeline_mode<synchronous>, transform_indices = @transform_4, window_bounds = array<i64: 1, 10240>}, {transform_indices = @transform_5, window_bounds = array<i64: 256, 32>}, {transform_indices = @transform_6, window_bounds = array<i64: 256, 32>}]} {
    %get3A = arith.constant 0 : index
    %get3A_0 = arith.constant 0 : index
    %get3A_1 = vector.load %arg2[%get3A, %get3A_0] : memref<256x8xf32, #tpu.memory_space<vmem>>, vector<256x8xf32>
    %mul3A = arith.mulf %get3A_1, %get3A_1 : vector<256x8xf32>
    %reduce_sum3A = arith.constant dense<0.000000e+00> : vector<256xf32>
    %reduce_sum3A_2 = vector.multi_reduction <add>, %mul3A, %reduce_sum3A [1] : vector<256x8xf32> to vector<256xf32>
    %broadcast_in_dim3A = vector.shape_cast %reduce_sum3A_2 : vector<256xf32> to vector<256x1xf32>
    %get3A_3 = arith.constant 0 : index
    %get3A_4 = arith.constant 0 : index
    %get3A_5 = vector.load %arg5[%get3A_3, %get3A_4] : memref<256x1xf32, #tpu.memory_space<vmem>>, vector<256x1xf32>
    %mul3A_6 = arith.constant 256 : i32
    %mul3A_7 = arith.muli %arg0, %mul3A_6 : i32
    %iota3A = tpu.iota {dimensions = array<i32: 0>} : vector<256x1xi32>
    %add3A = vector.broadcast %mul3A_7 : i32 to vector<256x1xi32>
    %add3A_8 = arith.addi %add3A, %iota3A : vector<256x1xi32>
    %get3A_9 = arith.constant 0 : index
    %get3A_10 = arith.index_cast %arg0 : i32 to index
    %get3A_11 = memref.load %arg1[%get3A_9, %get3A_10] : memref<2x40xi32, #tpu.memory_space<smem>>
    %get3A_12 = arith.constant 1 : index
    %get3A_13 = arith.index_cast %arg0 : i32 to index
    %get3A_14 = memref.load %arg1[%get3A_12, %get3A_13] : memref<2x40xi32, #tpu.memory_space<smem>>
    %iota3A_15 = tpu.iota {dimensions = array<i32: 1>} : vector<1x32xi32>
    %iota3A_16 = tpu.iota {dimensions = array<i32: 1>} : vector<1x544xi32>
    %broadcast_in_dim3A_17 = arith.constant 0xFF800000 : f32
    %broadcast_in_dim3A_18 = vector.broadcast %broadcast_in_dim3A_17 : f32 to vector<256x32xf32>
    %broadcast_in_dim3A_19 = arith.constant 0 : i32
    %broadcast_in_dim3A_20 = vector.broadcast %broadcast_in_dim3A_19 : i32 to vector<256x32xi32>
    %while3A = arith.constant 10791 : i32
    %while3A_21 = arith.subi %get3A_14, %get3A_11 : i32
    %while3A_22 = arith.addi %get3A_11, %while3A_21 : i32
    %while3A_23 = arith.constant 1 : i32
    %while3A_24 = arith.divsi %while3A_21, %while3A_23 : i32
    %while3A_25 = arith.muli %while3A_24, %while3A_23 : i32
    %while3A_26 = arith.addi %get3A_11, %while3A_25 : i32
    %while3A_27 = arith.constant 1 : i32
    %while3A_28:2 = scf.for %while3A_43 = %get3A_11 to %while3A_26 step %while3A_27 iter_args(%while3A_44 = %broadcast_in_dim3A_18, %while3A_45 = %broadcast_in_dim3A_20) -> (vector<256x32xf32>, vector<256x32xi32>)  : i32 {
      %mul3A_46 = arith.constant 512 : i32
      %mul3A_47 = arith.muli %while3A_43, %mul3A_46 : i32
      %multiple_of3A = tpu.assume_multiple %mul3A_47, 512 : i32
      %get3A_48 = arith.constant 0 : index
      %get3A_49 = arith.index_cast %multiple_of3A : i32 to index
      %get3A_50 = vector.load %arg3[%get3A_48, %get3A_49] : memref<8x10240xf32, #tpu.memory_space<vmem>>, vector<8x512xf32>
      %get3A_51 = arith.constant 0 : index
      %get3A_52 = arith.index_cast %multiple_of3A : i32 to index
      %get3A_53 = vector.load %arg4[%get3A_51, %get3A_52] : memref<1x10240xf32, #tpu.memory_space<vmem>>, vector<1x512xf32>
      %get3A_54 = arith.constant 0 : index
      %get3A_55 = arith.index_cast %multiple_of3A : i32 to index
      %get3A_56 = vector.load %arg6[%get3A_54, %get3A_55] : memref<1x10240xf32, #tpu.memory_space<vmem>>, vector<1x512xf32>
      %dot_general3A = arith.constant dense<0.000000e+00> : vector<256x512xf32>
      %dot_general3A_57 = tpu.matmul %get3A_1, %get3A_50, %dot_general3A {dimension_numbers = #tpu.dot_dimension_numbers<[1], [0], [0], [1], [0, 0, 1, 1], [], []>, precision = #tpu.contract_precision<fp32>, transpose_lhs_hint = false} : vector<256x8xf32>, vector<8x512xf32>, vector<256x512xf32> -> vector<256x512xf32>
      %add3A_58 = vector.broadcast %broadcast_in_dim3A : vector<256x1xf32> to vector<256x512xf32>
      %add3A_59 = vector.broadcast %get3A_53 : vector<1x512xf32> to vector<256x512xf32>
      %add3A_60 = arith.addf %add3A_58, %add3A_59 : vector<256x512xf32>
      %mul3A_61 = arith.constant 2.000000e+00 : f32
      %mul3A_62 = vector.broadcast %mul3A_61 : f32 to vector<256x512xf32>
      %mul3A_63 = arith.mulf %mul3A_62, %dot_general3A_57 : vector<256x512xf32>
      %sub3A = arith.subf %add3A_60, %mul3A_63 : vector<256x512xf32>
      %iota3A_64 = tpu.iota {dimensions = array<i32: 1>} : vector<256x512xi32>
      %add3A_65 = vector.broadcast %multiple_of3A : i32 to vector<256x512xi32>
      %add3A_66 = arith.addi %add3A_65, %iota3A_64 : vector<256x512xi32>
      %eq3A = vector.broadcast %get3A_5 : vector<256x1xf32> to vector<256x512xf32>
      %eq3A_67 = vector.broadcast %get3A_56 : vector<1x512xf32> to vector<256x512xf32>
      %eq3A_68 = arith.cmpf oeq, %eq3A, %eq3A_67 : vector<256x512xf32>
      %ne3A = vector.broadcast %add3A_8 : vector<256x1xi32> to vector<256x512xi32>
      %ne3A_69 = arith.cmpi ne, %ne3A, %add3A_66 : vector<256x512xi32>
      %and3A = arith.andi %eq3A_68, %ne3A_69 : vector<256x512xi1>
      %le3A = arith.constant 2.500000e+01 : f32
      %le3A_70 = vector.broadcast %le3A : f32 to vector<256x512xf32>
      %le3A_71 = arith.cmpf ole, %sub3A, %le3A_70 : vector<256x512xf32>
      %and3A_72 = arith.andi %and3A, %le3A_71 : vector<256x512xi1>
      %neg3A_73 = arith.constant 0.000000e+00 : f32
      %neg3A_74 = vector.broadcast %neg3A_73 : f32 to vector<256x512xf32>
      %neg3A_75 = arith.subf %neg3A_74, %sub3A : vector<256x512xf32>
      %jit3A_76 = arith.constant 0xFF800000 : f32
      %broadcast_in_dim3A_77 = vector.broadcast %jit3A_76 : f32 to vector<256x512xf32>
      %select_n3A_78 = arith.select %and3A_72, %neg3A_75, %broadcast_in_dim3A_77 : vector<256x512xi1>, vector<256x512xf32>
      %concatenate3A = tpu.concatenate %while3A_44, %select_n3A_78 in 1 : vector<256x32xf32>, vector<256x512xf32> -> vector<256x544xf32>
      %concatenate3A_79 = tpu.concatenate %while3A_45, %add3A_66 in 1 : vector<256x32xi32>, vector<256x512xi32> -> vector<256x544xi32>
      %broadcast_in_dim3A_80 = arith.constant 0xFF800000 : f32
      %broadcast_in_dim3A_81 = vector.broadcast %broadcast_in_dim3A_80 : f32 to vector<256x32xf32>
      %broadcast_in_dim3A_82 = arith.constant 0 : i32
      %broadcast_in_dim3A_83 = vector.broadcast %broadcast_in_dim3A_82 : i32 to vector<256x32xi32>
      %scan3A = arith.constant 0 : i32
      %scan3A_84 = arith.constant 32 : i32
      %scan3A_85 = arith.addi %scan3A, %scan3A_84 : i32
      %scan3A_86 = arith.constant 1 : i32
      %scan3A_87:3 = scf.for %scan3A_89 = %scan3A to %scan3A_85 step %scan3A_86 iter_args(%scan3A_90 = %concatenate3A, %scan3A_91 = %broadcast_in_dim3A_81, %scan3A_92 = %broadcast_in_dim3A_83) -> (vector<256x544xf32>, vector<256x32xf32>, vector<256x32xi32>)  : i32 {
        %reduce_max3A = arith.constant dense<0xFF800000> : vector<256xf32>
        %reduce_max3A_93 = vector.multi_reduction <maximumf>, %scan3A_90, %reduce_max3A [1] : vector<256x544xf32> to vector<256xf32>
        %broadcast_in_dim3A_94 = vector.shape_cast %reduce_max3A_93 : vector<256xf32> to vector<256x1xf32>
        %eq3A_95 = vector.broadcast %broadcast_in_dim3A_94 : vector<256x1xf32> to vector<256x544xf32>
        %eq3A_96 = arith.cmpf oeq, %scan3A_90, %eq3A_95 : vector<256x544xf32>
        %broadcast_in_dim3A_97 = vector.shape_cast %iota3A_16 : vector<1x544xi32> to vector<1x544xi32>
        %broadcast_in_dim3A_98 = vector.broadcast %broadcast_in_dim3A_97 : vector<1x544xi32> to vector<256x544xi32>
        %broadcast_in_dim3A_99 = vector.broadcast %while3A : i32 to vector<256x544xi32>
        %select_n3A_100 = arith.select %eq3A_96, %broadcast_in_dim3A_98, %broadcast_in_dim3A_99 : vector<256x544xi1>, vector<256x544xi32>
        %reduce_min3A = arith.constant dense<2147483647> : vector<256xi32>
        %reduce_min3A_101 = vector.multi_reduction <minsi>, %select_n3A_100, %reduce_min3A [1] : vector<256x544xi32> to vector<256xi32>
        %broadcast_in_dim3A_102 = vector.shape_cast %reduce_min3A_101 : vector<256xi32> to vector<256x1xi32>
        %eq3A_103 = vector.broadcast %iota3A_16 : vector<1x544xi32> to vector<256x544xi32>
        %eq3A_104 = vector.broadcast %broadcast_in_dim3A_102 : vector<256x1xi32> to vector<256x544xi32>
        %eq3A_105 = arith.cmpi eq, %eq3A_103, %eq3A_104 : vector<256x544xi32>
        %jit3A_106 = arith.constant 0 : i32
        %broadcast_in_dim3A_107 = vector.broadcast %jit3A_106 : i32 to vector<256x544xi32>
        %select_n3A_108 = arith.select %eq3A_105, %concatenate3A_79, %broadcast_in_dim3A_107 : vector<256x544xi1>, vector<256x544xi32>
        %reduce_max3A_109 = arith.constant dense<-2147483648> : vector<256xi32>
        %reduce_max3A_110 = vector.multi_reduction <maxsi>, %select_n3A_108, %reduce_max3A_109 [1] : vector<256x544xi32> to vector<256xi32>
        %broadcast_in_dim3A_111 = vector.shape_cast %reduce_max3A_110 : vector<256xi32> to vector<256x1xi32>
        %eq3A_112 = vector.broadcast %scan3A_89 : i32 to vector<1x32xi32>
        %eq3A_113 = arith.cmpi eq, %iota3A_15, %eq3A_112 : vector<1x32xi32>
        %broadcast_in_dim3A_114 = vector.shape_cast %eq3A_113 : vector<1x32xi1> to vector<1x32xi1>
        %broadcast_in_dim3A_115 = vector.broadcast %broadcast_in_dim3A_114 : vector<1x32xi1> to vector<256x32xi1>
        %broadcast_in_dim3A_116 = vector.shape_cast %broadcast_in_dim3A_94 : vector<256x1xf32> to vector<256x1xf32>
        %broadcast_in_dim3A_117 = vector.broadcast %broadcast_in_dim3A_116 : vector<256x1xf32> to vector<256x32xf32>
        %select_n3A_118 = arith.select %broadcast_in_dim3A_115, %broadcast_in_dim3A_117, %scan3A_91 : vector<256x32xi1>, vector<256x32xf32>
        %broadcast_in_dim3A_119 = vector.shape_cast %eq3A_113 : vector<1x32xi1> to vector<1x32xi1>
        %broadcast_in_dim3A_120 = vector.broadcast %broadcast_in_dim3A_119 : vector<1x32xi1> to vector<256x32xi1>
        %broadcast_in_dim3A_121 = vector.shape_cast %broadcast_in_dim3A_111 : vector<256x1xi32> to vector<256x1xi32>
        %broadcast_in_dim3A_122 = vector.broadcast %broadcast_in_dim3A_121 : vector<256x1xi32> to vector<256x32xi32>
        %select_n3A_123 = arith.select %broadcast_in_dim3A_120, %broadcast_in_dim3A_122, %scan3A_92 : vector<256x32xi1>, vector<256x32xi32>
        %jit3A_124 = arith.constant 0xFF800000 : f32
        %broadcast_in_dim3A_125 = vector.broadcast %jit3A_124 : f32 to vector<256x544xf32>
        %select_n3A_126 = arith.select %eq3A_105, %broadcast_in_dim3A_125, %scan3A_90 : vector<256x544xi1>, vector<256x544xf32>
        scf.yield %select_n3A_126, %select_n3A_118, %select_n3A_123 : vector<256x544xf32>, vector<256x32xf32>, vector<256x32xi32>
      }
      %scan3A_88 = arith.constant 32 : i32
      scf.yield %scan3A_87#1, %scan3A_87#2 : vector<256x32xf32>, vector<256x32xi32>
    }
    %while3A_29 = arith.constant 1 : i32
    %while3A_30:2 = scf.for %while3A_43 = %while3A_26 to %while3A_22 step %while3A_29 iter_args(%while3A_44 = %while3A_28#0, %while3A_45 = %while3A_28#1) -> (vector<256x32xf32>, vector<256x32xi32>)  : i32 {
      %mul3A_46 = arith.constant 512 : i32
      %mul3A_47 = arith.muli %while3A_43, %mul3A_46 : i32
      %multiple_of3A = tpu.assume_multiple %mul3A_47, 512 : i32
      %get3A_48 = arith.constant 0 : index
      %get3A_49 = arith.index_cast %multiple_of3A : i32 to index
      %get3A_50 = vector.load %arg3[%get3A_48, %get3A_49] : memref<8x10240xf32, #tpu.memory_space<vmem>>, vector<8x512xf32>
      %get3A_51 = arith.constant 0 : index
      %get3A_52 = arith.index_cast %multiple_of3A : i32 to index
      %get3A_53 = vector.load %arg4[%get3A_51, %get3A_52] : memref<1x10240xf32, #tpu.memory_space<vmem>>, vector<1x512xf32>
      %get3A_54 = arith.constant 0 : index
      %get3A_55 = arith.index_cast %multiple_of3A : i32 to index
      %get3A_56 = vector.load %arg6[%get3A_54, %get3A_55] : memref<1x10240xf32, #tpu.memory_space<vmem>>, vector<1x512xf32>
      %dot_general3A = arith.constant dense<0.000000e+00> : vector<256x512xf32>
      %dot_general3A_57 = tpu.matmul %get3A_1, %get3A_50, %dot_general3A {dimension_numbers = #tpu.dot_dimension_numbers<[1], [0], [0], [1], [0, 0, 1, 1], [], []>, precision = #tpu.contract_precision<fp32>, transpose_lhs_hint = false} : vector<256x8xf32>, vector<8x512xf32>, vector<256x512xf32> -> vector<256x512xf32>
      %add3A_58 = vector.broadcast %broadcast_in_dim3A : vector<256x1xf32> to vector<256x512xf32>
      %add3A_59 = vector.broadcast %get3A_53 : vector<1x512xf32> to vector<256x512xf32>
      %add3A_60 = arith.addf %add3A_58, %add3A_59 : vector<256x512xf32>
      %mul3A_61 = arith.constant 2.000000e+00 : f32
      %mul3A_62 = vector.broadcast %mul3A_61 : f32 to vector<256x512xf32>
      %mul3A_63 = arith.mulf %mul3A_62, %dot_general3A_57 : vector<256x512xf32>
      %sub3A = arith.subf %add3A_60, %mul3A_63 : vector<256x512xf32>
      %iota3A_64 = tpu.iota {dimensions = array<i32: 1>} : vector<256x512xi32>
      %add3A_65 = vector.broadcast %multiple_of3A : i32 to vector<256x512xi32>
      %add3A_66 = arith.addi %add3A_65, %iota3A_64 : vector<256x512xi32>
      %eq3A = vector.broadcast %get3A_5 : vector<256x1xf32> to vector<256x512xf32>
      %eq3A_67 = vector.broadcast %get3A_56 : vector<1x512xf32> to vector<256x512xf32>
      %eq3A_68 = arith.cmpf oeq, %eq3A, %eq3A_67 : vector<256x512xf32>
      %ne3A = vector.broadcast %add3A_8 : vector<256x1xi32> to vector<256x512xi32>
      %ne3A_69 = arith.cmpi ne, %ne3A, %add3A_66 : vector<256x512xi32>
      %and3A = arith.andi %eq3A_68, %ne3A_69 : vector<256x512xi1>
      %le3A = arith.constant 2.500000e+01 : f32
      %le3A_70 = vector.broadcast %le3A : f32 to vector<256x512xf32>
      %le3A_71 = arith.cmpf ole, %sub3A, %le3A_70 : vector<256x512xf32>
      %and3A_72 = arith.andi %and3A, %le3A_71 : vector<256x512xi1>
      %neg3A_73 = arith.constant 0.000000e+00 : f32
      %neg3A_74 = vector.broadcast %neg3A_73 : f32 to vector<256x512xf32>
      %neg3A_75 = arith.subf %neg3A_74, %sub3A : vector<256x512xf32>
      %jit3A_76 = arith.constant 0xFF800000 : f32
      %broadcast_in_dim3A_77 = vector.broadcast %jit3A_76 : f32 to vector<256x512xf32>
      %select_n3A_78 = arith.select %and3A_72, %neg3A_75, %broadcast_in_dim3A_77 : vector<256x512xi1>, vector<256x512xf32>
      %concatenate3A = tpu.concatenate %while3A_44, %select_n3A_78 in 1 : vector<256x32xf32>, vector<256x512xf32> -> vector<256x544xf32>
      %concatenate3A_79 = tpu.concatenate %while3A_45, %add3A_66 in 1 : vector<256x32xi32>, vector<256x512xi32> -> vector<256x544xi32>
      %broadcast_in_dim3A_80 = arith.constant 0xFF800000 : f32
      %broadcast_in_dim3A_81 = vector.broadcast %broadcast_in_dim3A_80 : f32 to vector<256x32xf32>
      %broadcast_in_dim3A_82 = arith.constant 0 : i32
      %broadcast_in_dim3A_83 = vector.broadcast %broadcast_in_dim3A_82 : i32 to vector<256x32xi32>
      %scan3A = arith.constant 0 : i32
      %scan3A_84 = arith.constant 32 : i32
      %scan3A_85 = arith.addi %scan3A, %scan3A_84 : i32
      %scan3A_86 = arith.constant 1 : i32
      %scan3A_87:3 = scf.for %scan3A_89 = %scan3A to %scan3A_85 step %scan3A_86 iter_args(%scan3A_90 = %concatenate3A, %scan3A_91 = %broadcast_in_dim3A_81, %scan3A_92 = %broadcast_in_dim3A_83) -> (vector<256x544xf32>, vector<256x32xf32>, vector<256x32xi32>)  : i32 {
        %reduce_max3A = arith.constant dense<0xFF800000> : vector<256xf32>
        %reduce_max3A_93 = vector.multi_reduction <maximumf>, %scan3A_90, %reduce_max3A [1] : vector<256x544xf32> to vector<256xf32>
        %broadcast_in_dim3A_94 = vector.shape_cast %reduce_max3A_93 : vector<256xf32> to vector<256x1xf32>
        %eq3A_95 = vector.broadcast %broadcast_in_dim3A_94 : vector<256x1xf32> to vector<256x544xf32>
        %eq3A_96 = arith.cmpf oeq, %scan3A_90, %eq3A_95 : vector<256x544xf32>
        %broadcast_in_dim3A_97 = vector.shape_cast %iota3A_16 : vector<1x544xi32> to vector<1x544xi32>
        %broadcast_in_dim3A_98 = vector.broadcast %broadcast_in_dim3A_97 : vector<1x544xi32> to vector<256x544xi32>
        %broadcast_in_dim3A_99 = vector.broadcast %while3A : i32 to vector<256x544xi32>
        %select_n3A_100 = arith.select %eq3A_96, %broadcast_in_dim3A_98, %broadcast_in_dim3A_99 : vector<256x544xi1>, vector<256x544xi32>
        %reduce_min3A = arith.constant dense<2147483647> : vector<256xi32>
        %reduce_min3A_101 = vector.multi_reduction <minsi>, %select_n3A_100, %reduce_min3A [1] : vector<256x544xi32> to vector<256xi32>
        %broadcast_in_dim3A_102 = vector.shape_cast %reduce_min3A_101 : vector<256xi32> to vector<256x1xi32>
        %eq3A_103 = vector.broadcast %iota3A_16 : vector<1x544xi32> to vector<256x544xi32>
        %eq3A_104 = vector.broadcast %broadcast_in_dim3A_102 : vector<256x1xi32> to vector<256x544xi32>
        %eq3A_105 = arith.cmpi eq, %eq3A_103, %eq3A_104 : vector<256x544xi32>
        %jit3A_106 = arith.constant 0 : i32
        %broadcast_in_dim3A_107 = vector.broadcast %jit3A_106 : i32 to vector<256x544xi32>
        %select_n3A_108 = arith.select %eq3A_105, %concatenate3A_79, %broadcast_in_dim3A_107 : vector<256x544xi1>, vector<256x544xi32>
        %reduce_max3A_109 = arith.constant dense<-2147483648> : vector<256xi32>
        %reduce_max3A_110 = vector.multi_reduction <maxsi>, %select_n3A_108, %reduce_max3A_109 [1] : vector<256x544xi32> to vector<256xi32>
        %broadcast_in_dim3A_111 = vector.shape_cast %reduce_max3A_110 : vector<256xi32> to vector<256x1xi32>
        %eq3A_112 = vector.broadcast %scan3A_89 : i32 to vector<1x32xi32>
        %eq3A_113 = arith.cmpi eq, %iota3A_15, %eq3A_112 : vector<1x32xi32>
        %broadcast_in_dim3A_114 = vector.shape_cast %eq3A_113 : vector<1x32xi1> to vector<1x32xi1>
        %broadcast_in_dim3A_115 = vector.broadcast %broadcast_in_dim3A_114 : vector<1x32xi1> to vector<256x32xi1>
        %broadcast_in_dim3A_116 = vector.shape_cast %broadcast_in_dim3A_94 : vector<256x1xf32> to vector<256x1xf32>
        %broadcast_in_dim3A_117 = vector.broadcast %broadcast_in_dim3A_116 : vector<256x1xf32> to vector<256x32xf32>
        %select_n3A_118 = arith.select %broadcast_in_dim3A_115, %broadcast_in_dim3A_117, %scan3A_91 : vector<256x32xi1>, vector<256x32xf32>
        %broadcast_in_dim3A_119 = vector.shape_cast %eq3A_113 : vector<1x32xi1> to vector<1x32xi1>
        %broadcast_in_dim3A_120 = vector.broadcast %broadcast_in_dim3A_119 : vector<1x32xi1> to vector<256x32xi1>
        %broadcast_in_dim3A_121 = vector.shape_cast %broadcast_in_dim3A_111 : vector<256x1xi32> to vector<256x1xi32>
        %broadcast_in_dim3A_122 = vector.broadcast %broadcast_in_dim3A_121 : vector<256x1xi32> to vector<256x32xi32>
        %select_n3A_123 = arith.select %broadcast_in_dim3A_120, %broadcast_in_dim3A_122, %scan3A_92 : vector<256x32xi1>, vector<256x32xi32>
        %jit3A_124 = arith.constant 0xFF800000 : f32
        %broadcast_in_dim3A_125 = vector.broadcast %jit3A_124 : f32 to vector<256x544xf32>
        %select_n3A_126 = arith.select %eq3A_105, %broadcast_in_dim3A_125, %scan3A_90 : vector<256x544xi1>, vector<256x544xf32>
        scf.yield %select_n3A_126, %select_n3A_118, %select_n3A_123 : vector<256x544xf32>, vector<256x32xf32>, vector<256x32xi32>
      }
      %scan3A_88 = arith.constant 32 : i32
      scf.yield %scan3A_87#1, %scan3A_87#2 : vector<256x32xf32>, vector<256x32xi32>
    }
    %gt3A = arith.constant -1.000000e+30 : f32
    %gt3A_31 = vector.broadcast %gt3A : f32 to vector<256x32xf32>
    %gt3A_32 = arith.cmpf ogt, %while3A_30#0, %gt3A_31 : vector<256x32xf32>
    %neg3A = arith.constant 0.000000e+00 : f32
    %neg3A_33 = vector.broadcast %neg3A : f32 to vector<256x32xf32>
    %neg3A_34 = arith.subf %neg3A_33, %while3A_30#0 : vector<256x32xf32>
    %max3A = arith.constant 0.000000e+00 : f32
    %max3A_35 = vector.broadcast %max3A : f32 to vector<256x32xf32>
    %max3A_36 = arith.maximumf %neg3A_34, %max3A_35 : vector<256x32xf32>
    %sqrt3A = math.sqrt %max3A_36 : vector<256x32xf32>
    %jit3A = arith.constant -1.000000e+00 : f32
    %broadcast_in_dim3A_37 = vector.broadcast %jit3A : f32 to vector<256x32xf32>
    %select_n3A = arith.select %gt3A_32, %sqrt3A, %broadcast_in_dim3A_37 : vector<256x32xi1>, vector<256x32xf32>
    %swap3A = arith.constant 0 : index
    %swap3A_38 = arith.constant 0 : index
    %swap3A_39 = vector.load %arg7[%swap3A, %swap3A_38] : memref<256x32xi32, #tpu.memory_space<vmem>>, vector<256x32xi32>
    tpu.vector_store %arg7[%swap3A, %swap3A_38], %while3A_30#1 {strides = array<i32>} : memref<256x32xi32, #tpu.memory_space<vmem>>, vector<256x32xi32>,
    %swap3A_40 = arith.constant 0 : index
    %swap3A_41 = arith.constant 0 : index
    %swap3A_42 = vector.load %arg8[%swap3A_40, %swap3A_41] : memref<256x32xf32, #tpu.memory_space<vmem>>, vector<256x32xf32>
    tpu.vector_store %arg8[%swap3A_40, %swap3A_41], %select_n3A {strides = array<i32>} : memref<256x32xf32, #tpu.memory_space<vmem>>, vector<256x32xf32>,
    return
  }
  func.func @transform_0(%arg0: i32, %arg1: memref<2x40xi32, #tpu.memory_space<smem>>) -> (i32, i32) {
    %c0_i32 = arith.constant 0 : i32
    %c0_i32_0 = arith.constant 0 : i32
    return %arg0, %c0_i32 : i32, i32
  }
  func.func @transform_1(%arg0: i32, %arg1: memref<2x40xi32, #tpu.memory_space<smem>>) -> (i32, i32) {
    %c0_i32 = arith.constant 0 : i32
    %c0_i32_0 = arith.constant 0 : i32
    %c0_i32_1 = arith.constant 0 : i32
    return %c0_i32, %c0_i32_0 : i32, i32
  }
  func.func @transform_2(%arg0: i32, %arg1: memref<2x40xi32, #tpu.memory_space<smem>>) -> (i32, i32) {
    %c0_i32 = arith.constant 0 : i32
    %c0_i32_0 = arith.constant 0 : i32
    %c0_i32_1 = arith.constant 0 : i32
    return %c0_i32, %c0_i32_0 : i32, i32
  }
  func.func @transform_3(%arg0: i32, %arg1: memref<2x40xi32, #tpu.memory_space<smem>>) -> (i32, i32) {
    %c0_i32 = arith.constant 0 : i32
    %c0_i32_0 = arith.constant 0 : i32
    return %arg0, %c0_i32 : i32, i32
  }
  func.func @transform_4(%arg0: i32, %arg1: memref<2x40xi32, #tpu.memory_space<smem>>) -> (i32, i32) {
    %c0_i32 = arith.constant 0 : i32
    %c0_i32_0 = arith.constant 0 : i32
    %c0_i32_1 = arith.constant 0 : i32
    return %c0_i32, %c0_i32_0 : i32, i32
  }
  func.func @transform_5(%arg0: i32, %arg1: memref<2x40xi32, #tpu.memory_space<smem>>) -> (i32, i32) {
    %c0_i32 = arith.constant 0 : i32
    %c0_i32_0 = arith.constant 0 : i32
    return %arg0, %c0_i32 : i32, i32
  }
  func.func @transform_6(%arg0: i32, %arg1: memref<2x40xi32, #tpu.memory_space<smem>>) -> (i32, i32) {
    %c0_i32 = arith.constant 0 : i32
    %c0_i32_0 = arith.constant 0 : i32
    return %arg0, %c0_i32 : i32, i32
  }
}

module attributes {stable_mosaic.version = 14 : i64} {
  func.func @_init_kernel(%arg0: i32, %arg1: memref<256x1xi32, #tpu.memory_space<vmem>>, %arg2: memref<104x128xf32, #tpu.memory_space<vmem>>, %arg3: memref<128x128xf32, #tpu.memory_space<vmem>>, %arg4: memref<256x128xf32, #tpu.memory_space<vmem>>, %arg5: memref<256x128xbf16, #tpu.memory_space<vmem>>, %arg6: memref<256x128xbf16, #tpu.memory_space<vmem>>) attributes {dimension_semantics = [#tpu.dimension_semantics<arbitrary>], iteration_bounds = array<i64: 40>, scalar_prefetch = 0 : i64, scratch_operands = 0 : i64, tpu.core_type = #tpu.core_type<tc>, window_params = [{transform_indices = @transform_0, window_bounds = array<i64: 256, 1>}, {pipeline_mode = #tpu.pipeline_mode<synchronous>, transform_indices = @transform_1, window_bounds = array<i64: 104, 128>}, {pipeline_mode = #tpu.pipeline_mode<synchronous>, transform_indices = @transform_2, window_bounds = array<i64: 128, 128>}, {transform_indices = @transform_3, window_bounds = array<i64: 256, 128>}, {transform_indices = @transform_4, window_bounds = array<i64: 256, 128>}, {transform_indices = @transform_5, window_bounds = array<i64: 256, 128>}]} {
    %get3A = arith.constant 0 : index
    %get3A_0 = arith.constant 0 : index
    %get3A_1 = vector.load %arg1[%get3A, %get3A_0] : memref<256x1xi32, #tpu.memory_space<vmem>>, vector<256x1xi32>
    %iota3A = tpu.iota {dimensions = array<i32: 1>} : vector<1x104xi32>
    %eq3A = vector.broadcast %get3A_1 : vector<256x1xi32> to vector<256x104xi32>
    %eq3A_2 = vector.broadcast %iota3A : vector<1x104xi32> to vector<256x104xi32>
    %eq3A_3 = arith.cmpi eq, %eq3A, %eq3A_2 : vector<256x104xi32>
    %convert_element_type3A = arith.extui %eq3A_3 : vector<256x104xi1> to vector<256x104xi32>
    %convert_element_type3A_4 = arith.sitofp %convert_element_type3A : vector<256x104xi32> to vector<256x104xf32>
    %get3A_5 = arith.constant 0 : index
    %get3A_6 = arith.constant 0 : index
    %get3A_7 = vector.load %arg2[%get3A_5, %get3A_6] : memref<104x128xf32, #tpu.memory_space<vmem>>, vector<104x128xf32>
    %dot_general3A = arith.constant dense<0.000000e+00> : vector<256x128xf32>
    %dot_general3A_8 = tpu.matmul %convert_element_type3A_4, %get3A_7, %dot_general3A {dimension_numbers = #tpu.dot_dimension_numbers<[1], [0], [0], [1], [0, 0, 1, 1], [], []>, precision = #tpu.contract_precision<fp32>, transpose_lhs_hint = false} : vector<256x104xf32>, vector<104x128xf32>, vector<256x128xf32> -> vector<256x128xf32>
    %swap3A = arith.constant 0 : index
    %swap3A_9 = arith.constant 0 : index
    %swap3A_10 = vector.load %arg4[%swap3A, %swap3A_9] : memref<256x128xf32, #tpu.memory_space<vmem>>, vector<256x128xf32>
    tpu.vector_store %arg4[%swap3A, %swap3A_9], %dot_general3A_8 {strides = array<i32>} : memref<256x128xf32, #tpu.memory_space<vmem>>, vector<256x128xf32>,
    %get3A_11 = arith.constant 0 : index
    %get3A_12 = arith.constant 0 : index
    %get3A_13 = vector.load %arg3[%get3A_11, %get3A_12] : memref<128x128xf32, #tpu.memory_space<vmem>>, vector<128x128xf32>
    %dot_general3A_14 = arith.constant dense<0.000000e+00> : vector<256x128xf32>
    %dot_general3A_15 = tpu.matmul %dot_general3A_8, %get3A_13, %dot_general3A_14 {dimension_numbers = #tpu.dot_dimension_numbers<[1], [0], [0], [1], [0, 0, 1, 1], [], []>, precision = #tpu.contract_precision<fp32>, transpose_lhs_hint = false} : vector<256x128xf32>, vector<128x128xf32>, vector<256x128xf32> -> vector<256x128xf32>
    %convert_element_type3A_16 = arith.truncf %dot_general3A_15 : vector<256x128xf32> to vector<256x128xbf16>
    %convert_element_type3A_17 = arith.extf %convert_element_type3A_16 : vector<256x128xbf16> to vector<256x128xf32>
    %sub3A = arith.subf %dot_general3A_15, %convert_element_type3A_17 : vector<256x128xf32>
    %convert_element_type3A_18 = arith.truncf %sub3A : vector<256x128xf32> to vector<256x128xbf16>
    %swap3A_19 = arith.constant 0 : index
    %swap3A_20 = arith.constant 0 : index
    %swap3A_21 = vector.load %arg5[%swap3A_19, %swap3A_20] : memref<256x128xbf16, #tpu.memory_space<vmem>>, vector<256x128xbf16>
    tpu.vector_store %arg5[%swap3A_19, %swap3A_20], %convert_element_type3A_16 {strides = array<i32>} : memref<256x128xbf16, #tpu.memory_space<vmem>>, vector<256x128xbf16>,
    %swap3A_22 = arith.constant 0 : index
    %swap3A_23 = arith.constant 0 : index
    %swap3A_24 = vector.load %arg6[%swap3A_22, %swap3A_23] : memref<256x128xbf16, #tpu.memory_space<vmem>>, vector<256x128xbf16>
    tpu.vector_store %arg6[%swap3A_22, %swap3A_23], %convert_element_type3A_18 {strides = array<i32>} : memref<256x128xbf16, #tpu.memory_space<vmem>>, vector<256x128xbf16>,
    return
  }
  func.func @transform_0(%arg0: i32) -> (i32, i32) {
    %c0_i32 = arith.constant 0 : i32
    %c0_i32_0 = arith.constant 0 : i32
    return %arg0, %c0_i32 : i32, i32
  }
  func.func @transform_1(%arg0: i32) -> (i32, i32) {
    %c0_i32 = arith.constant 0 : i32
    %c0_i32_0 = arith.constant 0 : i32
    %c0_i32_1 = arith.constant 0 : i32
    return %c0_i32, %c0_i32_0 : i32, i32
  }
  func.func @transform_2(%arg0: i32) -> (i32, i32) {
    %c0_i32 = arith.constant 0 : i32
    %c0_i32_0 = arith.constant 0 : i32
    %c0_i32_1 = arith.constant 0 : i32
    return %c0_i32, %c0_i32_0 : i32, i32
  }
  func.func @transform_3(%arg0: i32) -> (i32, i32) {
    %c0_i32 = arith.constant 0 : i32
    %c0_i32_0 = arith.constant 0 : i32
    return %arg0, %c0_i32 : i32, i32
  }
  func.func @transform_4(%arg0: i32) -> (i32, i32) {
    %c0_i32 = arith.constant 0 : i32
    %c0_i32_0 = arith.constant 0 : i32
    return %arg0, %c0_i32 : i32, i32
  }
  func.func @transform_5(%arg0: i32) -> (i32, i32) {
    %c0_i32 = arith.constant 0 : i32
    %c0_i32_0 = arith.constant 0 : i32
    return %arg0, %c0_i32 : i32, i32
  }
}

module attributes {stable_mosaic.version = 14 : i64} {
  func.func @_layer_kernel(%arg0: i32, %arg1: memref<2x80xi32, #tpu.memory_space<smem>>, %arg2: memref<4096x1xf32, #tpu.memory_space<vmem>>, %arg3: memref<4096x1xi32, #tpu.memory_space<vmem>>, %arg4: memref<128x128xf32, #tpu.memory_space<vmem>>, %arg5: memref<10240x128xbf16, #tpu.memory_space<vmem>>, %arg6: memref<10240x128xbf16, #tpu.memory_space<vmem>>, %arg7: memref<1x64xf32, #tpu.memory_space<vmem>>, %arg8: memref<64x128xf32, #tpu.memory_space<vmem>>, %arg9: memref<1x128xf32, #tpu.memory_space<vmem>>, %arg10: memref<128x128xf32, #tpu.memory_space<vmem>>, %arg11: memref<1x128xf32, #tpu.memory_space<vmem>>, %arg12: memref<128x128xf32, #tpu.memory_space<vmem>>, %arg13: memref<1x128xf32, #tpu.memory_space<vmem>>, %arg14: memref<128x128xf32, #tpu.memory_space<vmem>>, %arg15: memref<1x128xf32, #tpu.memory_space<vmem>>, %arg16: memref<128x128xf32, #tpu.memory_space<vmem>>, %arg17: memref<128x128xf32, #tpu.memory_space<vmem>>, %arg18: memref<128x128xbf16, #tpu.memory_space<vmem>>, %arg19: memref<128x128xbf16, #tpu.memory_space<vmem>>) attributes {dimension_semantics = [#tpu.dimension_semantics<arbitrary>], iteration_bounds = array<i64: 80>, scalar_prefetch = 1 : i64, scratch_operands = 0 : i64, tpu.core_type = #tpu.core_type<tc>, window_params = [{transform_indices = @transform_0, window_bounds = array<i64: 4096, 1>}, {transform_indices = @transform_1, window_bounds = array<i64: 4096, 1>}, {transform_indices = @transform_2, window_bounds = array<i64: 128, 128>}, {pipeline_mode = #tpu.pipeline_mode<synchronous>, transform_indices = @transform_3, window_bounds = array<i64: 10240, 128>}, {pipeline_mode = #tpu.pipeline_mode<synchronous>, transform_indices = @transform_4, window_bounds = array<i64: 10240, 128>}, {pipeline_mode = #tpu.pipeline_mode<synchronous>, transform_indices = @transform_5, window_bounds = array<i64: 1, 64>}, {pipeline_mode = #tpu.pipeline_mode<synchronous>, transform_indices = @transform_6, window_bounds = array<i64: 64, 128>}, {pipeline_mode = #tpu.pipeline_mode<synchronous>, transform_indices = @transform_7, window_bounds = array<i64: 1, 128>}, {pipeline_mode = #tpu.pipeline_mode<synchronous>, transform_indices = @transform_8, window_bounds = array<i64: 128, 128>}, {pipeline_mode = #tpu.pipeline_mode<synchronous>, transform_indices = @transform_9, window_bounds = array<i64: 1, 128>}, {pipeline_mode = #tpu.pipeline_mode<synchronous>, transform_indices = @transform_10, window_bounds = array<i64: 128, 128>}, {pipeline_mode = #tpu.pipeline_mode<synchronous>, transform_indices = @transform_11, window_bounds = array<i64: 1, 128>}, {pipeline_mode = #tpu.pipeline_mode<synchronous>, transform_indices = @transform_12, window_bounds = array<i64: 128, 128>}, {pipeline_mode = #tpu.pipeline_mode<synchronous>, transform_indices = @transform_13, window_bounds = array<i64: 1, 128>}, {pipeline_mode = #tpu.pipeline_mode<synchronous>, transform_indices = @transform_14, window_bounds = array<i64: 128, 128>}, {transform_indices = @transform_15, window_bounds = array<i64: 128, 128>}, {transform_indices = @transform_16, window_bounds = array<i64: 128, 128>}, {transform_indices = @transform_17, window_bounds = array<i64: 128, 128>}]} {
    %get3A = arith.constant 0 : index
    %get3A_0 = arith.constant 0 : index
    %get3A_1 = vector.load %arg2[%get3A, %get3A_0] : memref<4096x1xf32, #tpu.memory_space<vmem>>, vector<4096x1xf32>
    %ge3A = arith.constant 0.000000e+00 : f32
    %ge3A_2 = vector.broadcast %ge3A : f32 to vector<4096x1xf32>
    %ge3A_3 = arith.cmpf oge, %get3A_1, %ge3A_2 : vector<4096x1xf32>
    %jit3A = arith.constant 1.000000e+00 : f32
    %broadcast_in_dim3A = vector.broadcast %jit3A : f32 to vector<4096x1xf32>
    %select_n3A = arith.select %ge3A_3, %get3A_1, %broadcast_in_dim3A : vector<4096x1xi1>, vector<4096x1xf32>
    %mul3A = arith.constant 0.628318548 : f32
    %mul3A_4 = vector.broadcast %mul3A : f32 to vector<4096x1xf32>
    %mul3A_5 = arith.mulf %select_n3A, %mul3A_4 : vector<4096x1xf32>
    %cos3A = math.cos %mul3A_5 : vector<4096x1xf32>
    %add3A = arith.constant 1.000000e+00 : f32
    %add3A_6 = vector.broadcast %add3A : f32 to vector<4096x1xf32>
    %add3A_7 = arith.addf %cos3A, %add3A_6 : vector<4096x1xf32>
    %mul3A_8 = arith.constant 5.000000e-01 : f32
    %mul3A_9 = vector.broadcast %mul3A_8 : f32 to vector<4096x1xf32>
    %mul3A_10 = arith.mulf %mul3A_9, %add3A_7 : vector<4096x1xf32>
    %jit3A_11 = arith.constant 0.000000e+00 : f32
    %broadcast_in_dim3A_12 = vector.broadcast %jit3A_11 : f32 to vector<4096x1xf32>
    %select_n3A_13 = arith.select %ge3A_3, %mul3A_10, %broadcast_in_dim3A_12 : vector<4096x1xi1>, vector<4096x1xf32>
    %get3A_14 = arith.constant 0 : index
    %get3A_15 = arith.constant 0 : index
    %get3A_16 = vector.load %arg7[%get3A_14, %get3A_15] : memref<1x64xf32, #tpu.memory_space<vmem>>, vector<1x64xf32>
    %sub3A = vector.broadcast %select_n3A : vector<4096x1xf32> to vector<4096x64xf32>
    %sub3A_17 = vector.broadcast %get3A_16 : vector<1x64xf32> to vector<4096x64xf32>
    %sub3A_18 = arith.subf %sub3A, %sub3A_17 : vector<4096x64xf32>
    %integer_pow3A = arith.mulf %sub3A_18, %sub3A_18 : vector<4096x64xf32>
    %mul3A_19 = arith.constant -48.0199966 : f32
    %mul3A_20 = vector.broadcast %mul3A_19 : f32 to vector<4096x64xf32>
    %mul3A_21 = arith.mulf %mul3A_20, %integer_pow3A : vector<4096x64xf32>
    %exp3A = math.exp %mul3A_21 : vector<4096x64xf32>
    %get3A_22 = arith.constant 0 : index
    %get3A_23 = arith.constant 0 : index
    %get3A_24 = vector.load %arg8[%get3A_22, %get3A_23] : memref<64x128xf32, #tpu.memory_space<vmem>>, vector<64x128xf32>
    %dot_general3A = arith.constant dense<0.000000e+00> : vector<4096x128xf32>
    %dot_general3A_25 = tpu.matmul %exp3A, %get3A_24, %dot_general3A {dimension_numbers = #tpu.dot_dimension_numbers<[1], [0], [0], [1], [0, 0, 1, 1], [], []>, transpose_lhs_hint = false} : vector<4096x64xf32>, vector<64x128xf32>, vector<4096x128xf32> -> vector<4096x128xf32>
    %get3A_26 = arith.constant 0 : index
    %get3A_27 = arith.constant 0 : index
    %get3A_28 = vector.load %arg9[%get3A_26, %get3A_27] : memref<1x128xf32, #tpu.memory_space<vmem>>, vector<1x128xf32>
    %add3A_29 = vector.broadcast %get3A_28 : vector<1x128xf32> to vector<4096x128xf32>
    %add3A_30 = arith.addf %dot_general3A_25, %add3A_29 : vector<4096x128xf32>
    %max3A = arith.constant 0.000000e+00 : f32
    %max3A_31 = vector.broadcast %max3A : f32 to vector<4096x128xf32>
    %max3A_32 = arith.maximumf %add3A_30, %max3A_31 : vector<4096x128xf32>
    %abs3A = math.absf %add3A_30 : vector<4096x128xf32>
    %neg3A = arith.constant 0.000000e+00 : f32
    %neg3A_33 = vector.broadcast %neg3A : f32 to vector<4096x128xf32>
    %neg3A_34 = arith.subf %neg3A_33, %abs3A : vector<4096x128xf32>
    %exp3A_35 = math.exp %neg3A_34 : vector<4096x128xf32>
    %log1p3A = math.log1p %exp3A_35 : vector<4096x128xf32>
    %add3A_36 = arith.addf %max3A_32, %log1p3A : vector<4096x128xf32>
    %sub3A_37 = arith.constant 0.693147182 : f32
    %sub3A_38 = vector.broadcast %sub3A_37 : f32 to vector<4096x128xf32>
    %sub3A_39 = arith.subf %add3A_36, %sub3A_38 : vector<4096x128xf32>
    %get3A_40 = arith.constant 0 : index
    %get3A_41 = arith.constant 0 : index
    %get3A_42 = vector.load %arg10[%get3A_40, %get3A_41] : memref<128x128xf32, #tpu.memory_space<vmem>>, vector<128x128xf32>
    %dot_general3A_43 = arith.constant dense<0.000000e+00> : vector<4096x128xf32>
    %dot_general3A_44 = tpu.matmul %sub3A_39, %get3A_42, %dot_general3A_43 {dimension_numbers = #tpu.dot_dimension_numbers<[1], [0], [0], [1], [0, 0, 1, 1], [], []>, transpose_lhs_hint = false} : vector<4096x128xf32>, vector<128x128xf32>, vector<4096x128xf32> -> vector<4096x128xf32>
    %get3A_45 = arith.constant 0 : index
    %get3A_46 = arith.constant 0 : index
    %get3A_47 = vector.load %arg11[%get3A_45, %get3A_46] : memref<1x128xf32, #tpu.memory_space<vmem>>, vector<1x128xf32>
    %add3A_48 = vector.broadcast %get3A_47 : vector<1x128xf32> to vector<4096x128xf32>
    %add3A_49 = arith.addf %dot_general3A_44, %add3A_48 : vector<4096x128xf32>
    %mul3A_50 = vector.broadcast %select_n3A_13 : vector<4096x1xf32> to vector<4096x128xf32>
    %mul3A_51 = arith.mulf %add3A_49, %mul3A_50 : vector<4096x128xf32>
    %get3A_52 = arith.constant 0 : index
    %get3A_53 = arith.constant 0 : index
    %get3A_54 = vector.load %arg3[%get3A_52, %get3A_53] : memref<4096x1xi32, #tpu.memory_space<vmem>>, vector<4096x1xi32>
    %get3A_55 = arith.constant 0 : index
    %get3A_56 = arith.index_cast %arg0 : i32 to index
    %get3A_57 = memref.load %arg1[%get3A_55, %get3A_56] : memref<2x80xi32, #tpu.memory_space<smem>>
    %get3A_58 = arith.constant 1 : index
    %get3A_59 = arith.index_cast %arg0 : i32 to index
    %get3A_60 = memref.load %arg1[%get3A_58, %get3A_59] : memref<2x80xi32, #tpu.memory_space<smem>>
    %broadcast_in_dim3A_61 = arith.constant 0.000000e+00 : f32
    %broadcast_in_dim3A_62 = vector.broadcast %broadcast_in_dim3A_61 : f32 to vector<4096x128xf32>
    %while3A = arith.subi %get3A_60, %get3A_57 : i32
    %while3A_63 = arith.addi %get3A_57, %while3A : i32
    %while3A_64 = arith.constant 1 : i32
    %while3A_65 = arith.divsi %while3A, %while3A_64 : i32
    %while3A_66 = arith.muli %while3A_65, %while3A_64 : i32
    %while3A_67 = arith.addi %get3A_57, %while3A_66 : i32
    %while3A_68 = arith.constant 1 : i32
    %while3A_69 = scf.for %while3A_127 = %get3A_57 to %while3A_67 step %while3A_68 iter_args(%while3A_128 = %broadcast_in_dim3A_62) -> (vector<4096x128xf32>)  : i32 {
      %mul3A_129 = arith.constant 256 : i32
      %mul3A_130 = arith.muli %while3A_127, %mul3A_129 : i32
      %multiple_of3A = tpu.assume_multiple %mul3A_130, 256 : i32
      %get3A_131 = arith.index_cast %multiple_of3A : i32 to index
      %get3A_132 = arith.constant 0 : index
      %get3A_133 = vector.load %arg5[%get3A_131, %get3A_132] : memref<10240x128xbf16, #tpu.memory_space<vmem>>, vector<256x128xbf16>
      %get3A_134 = arith.index_cast %multiple_of3A : i32 to index
      %get3A_135 = arith.constant 0 : index
      %get3A_136 = vector.load %arg6[%get3A_134, %get3A_135] : memref<10240x128xbf16, #tpu.memory_space<vmem>>, vector<256x128xbf16>
      %iota3A = tpu.iota {dimensions = array<i32: 1>} : vector<1x256xi32>
      %add3A_137 = vector.broadcast %multiple_of3A : i32 to vector<1x256xi32>
      %add3A_138 = arith.addi %add3A_137, %iota3A : vector<1x256xi32>
      %eq3A = vector.broadcast %get3A_54 : vector<4096x1xi32> to vector<4096x256xi32>
      %eq3A_139 = vector.broadcast %add3A_138 : vector<1x256xi32> to vector<4096x256xi32>
      %eq3A_140 = arith.cmpi eq, %eq3A, %eq3A_139 : vector<4096x256xi32>
      %convert_element_type3A_141 = arith.extui %eq3A_140 : vector<4096x256xi1> to vector<4096x256xi32>
      %convert_element_type3A_142 = arith.sitofp %convert_element_type3A_141 : vector<4096x256xi32> to vector<4096x256xf32>
      %convert_element_type3A_143 = arith.truncf %convert_element_type3A_142 : vector<4096x256xf32> to vector<4096x256xbf16>
      %dot_general3A_144 = arith.constant dense<0.000000e+00> : vector<4096x128xf32>
      %dot_general3A_145 = tpu.matmul %convert_element_type3A_143, %get3A_133, %dot_general3A_144 {dimension_numbers = #tpu.dot_dimension_numbers<[1], [0], [0], [1], [0, 0, 1, 1], [], []>, transpose_lhs_hint = false} : vector<4096x256xbf16>, vector<256x128xbf16>, vector<4096x128xf32> -> vector<4096x128xf32>
      %add3A_146 = arith.addf %while3A_128, %dot_general3A_145 : vector<4096x128xf32>
      %dot_general3A_147 = arith.constant dense<0.000000e+00> : vector<4096x128xf32>
      %dot_general3A_148 = tpu.matmul %convert_element_type3A_143, %get3A_136, %dot_general3A_147 {dimension_numbers = #tpu.dot_dimension_numbers<[1], [0], [0], [1], [0, 0, 1, 1], [], []>, transpose_lhs_hint = false} : vector<4096x256xbf16>, vector<256x128xbf16>, vector<4096x128xf32> -> vector<4096x128xf32>
      %add3A_149 = arith.addf %add3A_146, %dot_general3A_148 : vector<4096x128xf32>
      scf.yield %add3A_149 : vector<4096x128xf32>
    }
    %while3A_70 = arith.constant 1 : i32
    %while3A_71 = scf.for %while3A_127 = %while3A_67 to %while3A_63 step %while3A_70 iter_args(%while3A_128 = %while3A_69) -> (vector<4096x128xf32>)  : i32 {
      %mul3A_129 = arith.constant 256 : i32
      %mul3A_130 = arith.muli %while3A_127, %mul3A_129 : i32
      %multiple_of3A = tpu.assume_multiple %mul3A_130, 256 : i32
      %get3A_131 = arith.index_cast %multiple_of3A : i32 to index
      %get3A_132 = arith.constant 0 : index
      %get3A_133 = vector.load %arg5[%get3A_131, %get3A_132] : memref<10240x128xbf16, #tpu.memory_space<vmem>>, vector<256x128xbf16>
      %get3A_134 = arith.index_cast %multiple_of3A : i32 to index
      %get3A_135 = arith.constant 0 : index
      %get3A_136 = vector.load %arg6[%get3A_134, %get3A_135] : memref<10240x128xbf16, #tpu.memory_space<vmem>>, vector<256x128xbf16>
      %iota3A = tpu.iota {dimensions = array<i32: 1>} : vector<1x256xi32>
      %add3A_137 = vector.broadcast %multiple_of3A : i32 to vector<1x256xi32>
      %add3A_138 = arith.addi %add3A_137, %iota3A : vector<1x256xi32>
      %eq3A = vector.broadcast %get3A_54 : vector<4096x1xi32> to vector<4096x256xi32>
      %eq3A_139 = vector.broadcast %add3A_138 : vector<1x256xi32> to vector<4096x256xi32>
      %eq3A_140 = arith.cmpi eq, %eq3A, %eq3A_139 : vector<4096x256xi32>
      %convert_element_type3A_141 = arith.extui %eq3A_140 : vector<4096x256xi1> to vector<4096x256xi32>
      %convert_element_type3A_142 = arith.sitofp %convert_element_type3A_141 : vector<4096x256xi32> to vector<4096x256xf32>
      %convert_element_type3A_143 = arith.truncf %convert_element_type3A_142 : vector<4096x256xf32> to vector<4096x256xbf16>
      %dot_general3A_144 = arith.constant dense<0.000000e+00> : vector<4096x128xf32>
      %dot_general3A_145 = tpu.matmul %convert_element_type3A_143, %get3A_133, %dot_general3A_144 {dimension_numbers = #tpu.dot_dimension_numbers<[1], [0], [0], [1], [0, 0, 1, 1], [], []>, transpose_lhs_hint = false} : vector<4096x256xbf16>, vector<256x128xbf16>, vector<4096x128xf32> -> vector<4096x128xf32>
      %add3A_146 = arith.addf %while3A_128, %dot_general3A_145 : vector<4096x128xf32>
      %dot_general3A_147 = arith.constant dense<0.000000e+00> : vector<4096x128xf32>
      %dot_general3A_148 = tpu.matmul %convert_element_type3A_143, %get3A_136, %dot_general3A_147 {dimension_numbers = #tpu.dot_dimension_numbers<[1], [0], [0], [1], [0, 0, 1, 1], [], []>, transpose_lhs_hint = false} : vector<4096x256xbf16>, vector<256x128xbf16>, vector<4096x128xf32> -> vector<4096x128xf32>
      %add3A_149 = arith.addf %add3A_146, %dot_general3A_148 : vector<4096x128xf32>
      scf.yield %add3A_149 : vector<4096x128xf32>
    }
    %mul3A_72 = arith.mulf %while3A_71, %mul3A_51 : vector<4096x128xf32>
    %reshape3A = vector.shape_cast %mul3A_72 : vector<4096x128xf32> to vector<128x32x128xf32>
    %reduce_sum3A = arith.constant dense<0.000000e+00> : vector<128x128xf32>
    %reduce_sum3A_73 = vector.multi_reduction <add>, %reshape3A, %reduce_sum3A [1] : vector<128x32x128xf32> to vector<128x128xf32>
    %get3A_74 = arith.constant 0 : index
    %get3A_75 = arith.constant 0 : index
    %get3A_76 = vector.load %arg12[%get3A_74, %get3A_75] : memref<128x128xf32, #tpu.memory_space<vmem>>, vector<128x128xf32>
    %dot_general3A_77 = arith.constant dense<0.000000e+00> : vector<128x128xf32>
    %dot_general3A_78 = tpu.matmul %reduce_sum3A_73, %get3A_76, %dot_general3A_77 {dimension_numbers = #tpu.dot_dimension_numbers<[1], [0], [0], [1], [0, 0, 1, 1], [], []>, transpose_lhs_hint = false} : vector<128x128xf32>, vector<128x128xf32>, vector<128x128xf32> -> vector<128x128xf32>
    %get3A_79 = arith.constant 0 : index
    %get3A_80 = arith.constant 0 : index
    %get3A_81 = vector.load %arg13[%get3A_79, %get3A_80] : memref<1x128xf32, #tpu.memory_space<vmem>>, vector<1x128xf32>
    %add3A_82 = vector.broadcast %get3A_81 : vector<1x128xf32> to vector<128x128xf32>
    %add3A_83 = arith.addf %dot_general3A_78, %add3A_82 : vector<128x128xf32>
    %max3A_84 = arith.constant 0.000000e+00 : f32
    %max3A_85 = vector.broadcast %max3A_84 : f32 to vector<128x128xf32>
    %max3A_86 = arith.maximumf %add3A_83, %max3A_85 : vector<128x128xf32>
    %abs3A_87 = math.absf %add3A_83 : vector<128x128xf32>
    %neg3A_88 = arith.constant 0.000000e+00 : f32
    %neg3A_89 = vector.broadcast %neg3A_88 : f32 to vector<128x128xf32>
    %neg3A_90 = arith.subf %neg3A_89, %abs3A_87 : vector<128x128xf32>
    %exp3A_91 = math.exp %neg3A_90 : vector<128x128xf32>
    %log1p3A_92 = math.log1p %exp3A_91 : vector<128x128xf32>
    %add3A_93 = arith.addf %max3A_86, %log1p3A_92 : vector<128x128xf32>
    %sub3A_94 = arith.constant 0.693147182 : f32
    %sub3A_95 = vector.broadcast %sub3A_94 : f32 to vector<128x128xf32>
    %sub3A_96 = arith.subf %add3A_93, %sub3A_95 : vector<128x128xf32>
    %get3A_97 = arith.constant 0 : index
    %get3A_98 = arith.constant 0 : index
    %get3A_99 = vector.load %arg4[%get3A_97, %get3A_98] : memref<128x128xf32, #tpu.memory_space<vmem>>, vector<128x128xf32>
    %get3A_100 = arith.constant 0 : index
    %get3A_101 = arith.constant 0 : index
    %get3A_102 = vector.load %arg14[%get3A_100, %get3A_101] : memref<128x128xf32, #tpu.memory_space<vmem>>, vector<128x128xf32>
    %dot_general3A_103 = arith.constant dense<0.000000e+00> : vector<128x128xf32>
    %dot_general3A_104 = tpu.matmul %sub3A_96, %get3A_102, %dot_general3A_103 {dimension_numbers = #tpu.dot_dimension_numbers<[1], [0], [0], [1], [0, 0, 1, 1], [], []>, transpose_lhs_hint = false} : vector<128x128xf32>, vector<128x128xf32>, vector<128x128xf32> -> vector<128x128xf32>
    %add3A_105 = arith.addf %get3A_99, %dot_general3A_104 : vector<128x128xf32>
    %get3A_106 = arith.constant 0 : index
    %get3A_107 = arith.constant 0 : index
    %get3A_108 = vector.load %arg15[%get3A_106, %get3A_107] : memref<1x128xf32, #tpu.memory_space<vmem>>, vector<1x128xf32>
    %add3A_109 = vector.broadcast %get3A_108 : vector<1x128xf32> to vector<128x128xf32>
    %add3A_110 = arith.addf %add3A_105, %add3A_109 : vector<128x128xf32>
    %swap3A = arith.constant 0 : index
    %swap3A_111 = arith.constant 0 : index
    %swap3A_112 = vector.load %arg17[%swap3A, %swap3A_111] : memref<128x128xf32, #tpu.memory_space<vmem>>, vector<128x128xf32>
    tpu.vector_store %arg17[%swap3A, %swap3A_111], %add3A_110 {strides = array<i32>} : memref<128x128xf32, #tpu.memory_space<vmem>>, vector<128x128xf32>,
    %get3A_113 = arith.constant 0 : index
    %get3A_114 = arith.constant 0 : index
    %get3A_115 = vector.load %arg16[%get3A_113, %get3A_114] : memref<128x128xf32, #tpu.memory_space<vmem>>, vector<128x128xf32>
    %dot_general3A_116 = arith.constant dense<0.000000e+00> : vector<128x128xf32>
    %dot_general3A_117 = tpu.matmul %add3A_110, %get3A_115, %dot_general3A_116 {dimension_numbers = #tpu.dot_dimension_numbers<[1], [0], [0], [1], [0, 0, 1, 1], [], []>, transpose_lhs_hint = false} : vector<128x128xf32>, vector<128x128xf32>, vector<128x128xf32> -> vector<128x128xf32>
    %convert_element_type3A = arith.truncf %dot_general3A_117 : vector<128x128xf32> to vector<128x128xbf16>
    %convert_element_type3A_118 = arith.extf %convert_element_type3A : vector<128x128xbf16> to vector<128x128xf32>
    %sub3A_119 = arith.subf %dot_general3A_117, %convert_element_type3A_118 : vector<128x128xf32>
    %convert_element_type3A_120 = arith.truncf %sub3A_119 : vector<128x128xf32> to vector<128x128xbf16>
    %swap3A_121 = arith.constant 0 : index
    %swap3A_122 = arith.constant 0 : index
    %swap3A_123 = vector.load %arg18[%swap3A_121, %swap3A_122] : memref<128x128xbf16, #tpu.memory_space<vmem>>, vector<128x128xbf16>
    tpu.vector_store %arg18[%swap3A_121, %swap3A_122], %convert_element_type3A {strides = array<i32>} : memref<128x128xbf16, #tpu.memory_space<vmem>>, vector<128x128xbf16>,
    %swap3A_124 = arith.constant 0 : index
    %swap3A_125 = arith.constant 0 : index
    %swap3A_126 = vector.load %arg19[%swap3A_124, %swap3A_125] : memref<128x128xbf16, #tpu.memory_space<vmem>>, vector<128x128xbf16>
    tpu.vector_store %arg19[%swap3A_124, %swap3A_125], %convert_element_type3A_120 {strides = array<i32>} : memref<128x128xbf16, #tpu.memory_space<vmem>>, vector<128x128xbf16>,
    return
  }
  func.func @transform_0(%arg0: i32, %arg1: memref<2x80xi32, #tpu.memory_space<smem>>) -> (i32, i32) {
    %c0_i32 = arith.constant 0 : i32
    %c0_i32_0 = arith.constant 0 : i32
    return %arg0, %c0_i32 : i32, i32
  }
  func.func @transform_1(%arg0: i32, %arg1: memref<2x80xi32, #tpu.memory_space<smem>>) -> (i32, i32) {
    %c0_i32 = arith.constant 0 : i32
    %c0_i32_0 = arith.constant 0 : i32
    return %arg0, %c0_i32 : i32, i32
  }
  func.func @transform_2(%arg0: i32, %arg1: memref<2x80xi32, #tpu.memory_space<smem>>) -> (i32, i32) {
    %c0_i32 = arith.constant 0 : i32
    %c0_i32_0 = arith.constant 0 : i32
    return %arg0, %c0_i32 : i32, i32
  }
  func.func @transform_3(%arg0: i32, %arg1: memref<2x80xi32, #tpu.memory_space<smem>>) -> (i32, i32) {
    %c0_i32 = arith.constant 0 : i32
    %c0_i32_0 = arith.constant 0 : i32
    %c0_i32_1 = arith.constant 0 : i32
    return %c0_i32, %c0_i32_0 : i32, i32
  }
  func.func @transform_4(%arg0: i32, %arg1: memref<2x80xi32, #tpu.memory_space<smem>>) -> (i32, i32) {
    %c0_i32 = arith.constant 0 : i32
    %c0_i32_0 = arith.constant 0 : i32
    %c0_i32_1 = arith.constant 0 : i32
    return %c0_i32, %c0_i32_0 : i32, i32
  }
  func.func @transform_5(%arg0: i32, %arg1: memref<2x80xi32, #tpu.memory_space<smem>>) -> (i32, i32) {
    %c0_i32 = arith.constant 0 : i32
    %c0_i32_0 = arith.constant 0 : i32
    %c0_i32_1 = arith.constant 0 : i32
    return %c0_i32, %c0_i32_0 : i32, i32
  }
  func.func @transform_6(%arg0: i32, %arg1: memref<2x80xi32, #tpu.memory_space<smem>>) -> (i32, i32) {
    %c0_i32 = arith.constant 0 : i32
    %c0_i32_0 = arith.constant 0 : i32
    %c0_i32_1 = arith.constant 0 : i32
    return %c0_i32, %c0_i32_0 : i32, i32
  }
  func.func @transform_7(%arg0: i32, %arg1: memref<2x80xi32, #tpu.memory_space<smem>>) -> (i32, i32) {
    %c0_i32 = arith.constant 0 : i32
    %c0_i32_0 = arith.constant 0 : i32
    %c0_i32_1 = arith.constant 0 : i32
    return %c0_i32, %c0_i32_0 : i32, i32
  }
  func.func @transform_8(%arg0: i32, %arg1: memref<2x80xi32, #tpu.memory_space<smem>>) -> (i32, i32) {
    %c0_i32 = arith.constant 0 : i32
    %c0_i32_0 = arith.constant 0 : i32
    %c0_i32_1 = arith.constant 0 : i32
    return %c0_i32, %c0_i32_0 : i32, i32
  }
  func.func @transform_9(%arg0: i32, %arg1: memref<2x80xi32, #tpu.memory_space<smem>>) -> (i32, i32) {
    %c0_i32 = arith.constant 0 : i32
    %c0_i32_0 = arith.constant 0 : i32
    %c0_i32_1 = arith.constant 0 : i32
    return %c0_i32, %c0_i32_0 : i32, i32
  }
  func.func @transform_10(%arg0: i32, %arg1: memref<2x80xi32, #tpu.memory_space<smem>>) -> (i32, i32) {
    %c0_i32 = arith.constant 0 : i32
    %c0_i32_0 = arith.constant 0 : i32
    %c0_i32_1 = arith.constant 0 : i32
    return %c0_i32, %c0_i32_0 : i32, i32
  }
  func.func @transform_11(%arg0: i32, %arg1: memref<2x80xi32, #tpu.memory_space<smem>>) -> (i32, i32) {
    %c0_i32 = arith.constant 0 : i32
    %c0_i32_0 = arith.constant 0 : i32
    %c0_i32_1 = arith.constant 0 : i32
    return %c0_i32, %c0_i32_0 : i32, i32
  }
  func.func @transform_12(%arg0: i32, %arg1: memref<2x80xi32, #tpu.memory_space<smem>>) -> (i32, i32) {
    %c0_i32 = arith.constant 0 : i32
    %c0_i32_0 = arith.constant 0 : i32
    %c0_i32_1 = arith.constant 0 : i32
    return %c0_i32, %c0_i32_0 : i32, i32
  }
  func.func @transform_13(%arg0: i32, %arg1: memref<2x80xi32, #tpu.memory_space<smem>>) -> (i32, i32) {
    %c0_i32 = arith.constant 0 : i32
    %c0_i32_0 = arith.constant 0 : i32
    %c0_i32_1 = arith.constant 0 : i32
    return %c0_i32, %c0_i32_0 : i32, i32
  }
  func.func @transform_14(%arg0: i32, %arg1: memref<2x80xi32, #tpu.memory_space<smem>>) -> (i32, i32) {
    %c0_i32 = arith.constant 0 : i32
    %c0_i32_0 = arith.constant 0 : i32
    %c0_i32_1 = arith.constant 0 : i32
    return %c0_i32, %c0_i32_0 : i32, i32
  }
  func.func @transform_15(%arg0: i32, %arg1: memref<2x80xi32, #tpu.memory_space<smem>>) -> (i32, i32) {
    %c0_i32 = arith.constant 0 : i32
    %c0_i32_0 = arith.constant 0 : i32
    return %arg0, %c0_i32 : i32, i32
  }
  func.func @transform_16(%arg0: i32, %arg1: memref<2x80xi32, #tpu.memory_space<smem>>) -> (i32, i32) {
    %c0_i32 = arith.constant 0 : i32
    %c0_i32_0 = arith.constant 0 : i32
    return %arg0, %c0_i32 : i32, i32
  }
  func.func @transform_17(%arg0: i32, %arg1: memref<2x80xi32, #tpu.memory_space<smem>>) -> (i32, i32) {
    %c0_i32 = arith.constant 0 : i32
    %c0_i32_0 = arith.constant 0 : i32
    return %arg0, %c0_i32 : i32, i32
  }
}

module attributes {stable_mosaic.version = 14 : i64} {
  func.func @_layer_kernel(%arg0: i32, %arg1: memref<2x80xi32, #tpu.memory_space<smem>>, %arg2: memref<4096x1xf32, #tpu.memory_space<vmem>>, %arg3: memref<4096x1xi32, #tpu.memory_space<vmem>>, %arg4: memref<128x128xf32, #tpu.memory_space<vmem>>, %arg5: memref<10240x128xbf16, #tpu.memory_space<vmem>>, %arg6: memref<10240x128xbf16, #tpu.memory_space<vmem>>, %arg7: memref<1x64xf32, #tpu.memory_space<vmem>>, %arg8: memref<64x128xf32, #tpu.memory_space<vmem>>, %arg9: memref<1x128xf32, #tpu.memory_space<vmem>>, %arg10: memref<128x128xf32, #tpu.memory_space<vmem>>, %arg11: memref<1x128xf32, #tpu.memory_space<vmem>>, %arg12: memref<128x128xf32, #tpu.memory_space<vmem>>, %arg13: memref<1x128xf32, #tpu.memory_space<vmem>>, %arg14: memref<128x128xf32, #tpu.memory_space<vmem>>, %arg15: memref<1x128xf32, #tpu.memory_space<vmem>>, %arg16: memref<128x128xf32, #tpu.memory_space<vmem>>, %arg17: memref<128x128xf32, #tpu.memory_space<vmem>>, %arg18: memref<128x128xbf16, #tpu.memory_space<vmem>>, %arg19: memref<128x128xbf16, #tpu.memory_space<vmem>>) attributes {dimension_semantics = [#tpu.dimension_semantics<arbitrary>], iteration_bounds = array<i64: 80>, scalar_prefetch = 1 : i64, scratch_operands = 0 : i64, tpu.core_type = #tpu.core_type<tc>, window_params = [{transform_indices = @transform_0, window_bounds = array<i64: 4096, 1>}, {transform_indices = @transform_1, window_bounds = array<i64: 4096, 1>}, {transform_indices = @transform_2, window_bounds = array<i64: 128, 128>}, {pipeline_mode = #tpu.pipeline_mode<synchronous>, transform_indices = @transform_3, window_bounds = array<i64: 10240, 128>}, {pipeline_mode = #tpu.pipeline_mode<synchronous>, transform_indices = @transform_4, window_bounds = array<i64: 10240, 128>}, {pipeline_mode = #tpu.pipeline_mode<synchronous>, transform_indices = @transform_5, window_bounds = array<i64: 1, 64>}, {pipeline_mode = #tpu.pipeline_mode<synchronous>, transform_indices = @transform_6, window_bounds = array<i64: 64, 128>}, {pipeline_mode = #tpu.pipeline_mode<synchronous>, transform_indices = @transform_7, window_bounds = array<i64: 1, 128>}, {pipeline_mode = #tpu.pipeline_mode<synchronous>, transform_indices = @transform_8, window_bounds = array<i64: 128, 128>}, {pipeline_mode = #tpu.pipeline_mode<synchronous>, transform_indices = @transform_9, window_bounds = array<i64: 1, 128>}, {pipeline_mode = #tpu.pipeline_mode<synchronous>, transform_indices = @transform_10, window_bounds = array<i64: 128, 128>}, {pipeline_mode = #tpu.pipeline_mode<synchronous>, transform_indices = @transform_11, window_bounds = array<i64: 1, 128>}, {pipeline_mode = #tpu.pipeline_mode<synchronous>, transform_indices = @transform_12, window_bounds = array<i64: 128, 128>}, {pipeline_mode = #tpu.pipeline_mode<synchronous>, transform_indices = @transform_13, window_bounds = array<i64: 1, 128>}, {pipeline_mode = #tpu.pipeline_mode<synchronous>, transform_indices = @transform_14, window_bounds = array<i64: 128, 128>}, {transform_indices = @transform_15, window_bounds = array<i64: 128, 128>}, {transform_indices = @transform_16, window_bounds = array<i64: 128, 128>}, {transform_indices = @transform_17, window_bounds = array<i64: 128, 128>}]} {
    %get3A = arith.constant 0 : index
    %get3A_0 = arith.constant 0 : index
    %get3A_1 = vector.load %arg2[%get3A, %get3A_0] : memref<4096x1xf32, #tpu.memory_space<vmem>>, vector<4096x1xf32>
    %ge3A = arith.constant 0.000000e+00 : f32
    %ge3A_2 = vector.broadcast %ge3A : f32 to vector<4096x1xf32>
    %ge3A_3 = arith.cmpf oge, %get3A_1, %ge3A_2 : vector<4096x1xf32>
    %jit3A = arith.constant 1.000000e+00 : f32
    %broadcast_in_dim3A = vector.broadcast %jit3A : f32 to vector<4096x1xf32>
    %select_n3A = arith.select %ge3A_3, %get3A_1, %broadcast_in_dim3A : vector<4096x1xi1>, vector<4096x1xf32>
    %mul3A = arith.constant 0.628318548 : f32
    %mul3A_4 = vector.broadcast %mul3A : f32 to vector<4096x1xf32>
    %mul3A_5 = arith.mulf %select_n3A, %mul3A_4 : vector<4096x1xf32>
    %cos3A = math.cos %mul3A_5 : vector<4096x1xf32>
    %add3A = arith.constant 1.000000e+00 : f32
    %add3A_6 = vector.broadcast %add3A : f32 to vector<4096x1xf32>
    %add3A_7 = arith.addf %cos3A, %add3A_6 : vector<4096x1xf32>
    %mul3A_8 = arith.constant 5.000000e-01 : f32
    %mul3A_9 = vector.broadcast %mul3A_8 : f32 to vector<4096x1xf32>
    %mul3A_10 = arith.mulf %mul3A_9, %add3A_7 : vector<4096x1xf32>
    %jit3A_11 = arith.constant 0.000000e+00 : f32
    %broadcast_in_dim3A_12 = vector.broadcast %jit3A_11 : f32 to vector<4096x1xf32>
    %select_n3A_13 = arith.select %ge3A_3, %mul3A_10, %broadcast_in_dim3A_12 : vector<4096x1xi1>, vector<4096x1xf32>
    %get3A_14 = arith.constant 0 : index
    %get3A_15 = arith.constant 0 : index
    %get3A_16 = vector.load %arg7[%get3A_14, %get3A_15] : memref<1x64xf32, #tpu.memory_space<vmem>>, vector<1x64xf32>
    %sub3A = vector.broadcast %select_n3A : vector<4096x1xf32> to vector<4096x64xf32>
    %sub3A_17 = vector.broadcast %get3A_16 : vector<1x64xf32> to vector<4096x64xf32>
    %sub3A_18 = arith.subf %sub3A, %sub3A_17 : vector<4096x64xf32>
    %integer_pow3A = arith.mulf %sub3A_18, %sub3A_18 : vector<4096x64xf32>
    %mul3A_19 = arith.constant -48.0199966 : f32
    %mul3A_20 = vector.broadcast %mul3A_19 : f32 to vector<4096x64xf32>
    %mul3A_21 = arith.mulf %mul3A_20, %integer_pow3A : vector<4096x64xf32>
    %exp3A = math.exp %mul3A_21 : vector<4096x64xf32>
    %get3A_22 = arith.constant 0 : index
    %get3A_23 = arith.constant 0 : index
    %get3A_24 = vector.load %arg8[%get3A_22, %get3A_23] : memref<64x128xf32, #tpu.memory_space<vmem>>, vector<64x128xf32>
    %dot_general3A = arith.constant dense<0.000000e+00> : vector<4096x128xf32>
    %dot_general3A_25 = tpu.matmul %exp3A, %get3A_24, %dot_general3A {dimension_numbers = #tpu.dot_dimension_numbers<[1], [0], [0], [1], [0, 0, 1, 1], [], []>, transpose_lhs_hint = false} : vector<4096x64xf32>, vector<64x128xf32>, vector<4096x128xf32> -> vector<4096x128xf32>
    %get3A_26 = arith.constant 0 : index
    %get3A_27 = arith.constant 0 : index
    %get3A_28 = vector.load %arg9[%get3A_26, %get3A_27] : memref<1x128xf32, #tpu.memory_space<vmem>>, vector<1x128xf32>
    %add3A_29 = vector.broadcast %get3A_28 : vector<1x128xf32> to vector<4096x128xf32>
    %add3A_30 = arith.addf %dot_general3A_25, %add3A_29 : vector<4096x128xf32>
    %max3A = arith.constant 0.000000e+00 : f32
    %max3A_31 = vector.broadcast %max3A : f32 to vector<4096x128xf32>
    %max3A_32 = arith.maximumf %add3A_30, %max3A_31 : vector<4096x128xf32>
    %abs3A = math.absf %add3A_30 : vector<4096x128xf32>
    %neg3A = arith.constant 0.000000e+00 : f32
    %neg3A_33 = vector.broadcast %neg3A : f32 to vector<4096x128xf32>
    %neg3A_34 = arith.subf %neg3A_33, %abs3A : vector<4096x128xf32>
    %exp3A_35 = math.exp %neg3A_34 : vector<4096x128xf32>
    %log1p3A = math.log1p %exp3A_35 : vector<4096x128xf32>
    %add3A_36 = arith.addf %max3A_32, %log1p3A : vector<4096x128xf32>
    %sub3A_37 = arith.constant 0.693147182 : f32
    %sub3A_38 = vector.broadcast %sub3A_37 : f32 to vector<4096x128xf32>
    %sub3A_39 = arith.subf %add3A_36, %sub3A_38 : vector<4096x128xf32>
    %get3A_40 = arith.constant 0 : index
    %get3A_41 = arith.constant 0 : index
    %get3A_42 = vector.load %arg10[%get3A_40, %get3A_41] : memref<128x128xf32, #tpu.memory_space<vmem>>, vector<128x128xf32>
    %dot_general3A_43 = arith.constant dense<0.000000e+00> : vector<4096x128xf32>
    %dot_general3A_44 = tpu.matmul %sub3A_39, %get3A_42, %dot_general3A_43 {dimension_numbers = #tpu.dot_dimension_numbers<[1], [0], [0], [1], [0, 0, 1, 1], [], []>, transpose_lhs_hint = false} : vector<4096x128xf32>, vector<128x128xf32>, vector<4096x128xf32> -> vector<4096x128xf32>
    %get3A_45 = arith.constant 0 : index
    %get3A_46 = arith.constant 0 : index
    %get3A_47 = vector.load %arg11[%get3A_45, %get3A_46] : memref<1x128xf32, #tpu.memory_space<vmem>>, vector<1x128xf32>
    %add3A_48 = vector.broadcast %get3A_47 : vector<1x128xf32> to vector<4096x128xf32>
    %add3A_49 = arith.addf %dot_general3A_44, %add3A_48 : vector<4096x128xf32>
    %mul3A_50 = vector.broadcast %select_n3A_13 : vector<4096x1xf32> to vector<4096x128xf32>
    %mul3A_51 = arith.mulf %add3A_49, %mul3A_50 : vector<4096x128xf32>
    %get3A_52 = arith.constant 0 : index
    %get3A_53 = arith.constant 0 : index
    %get3A_54 = vector.load %arg3[%get3A_52, %get3A_53] : memref<4096x1xi32, #tpu.memory_space<vmem>>, vector<4096x1xi32>
    %get3A_55 = arith.constant 0 : index
    %get3A_56 = arith.index_cast %arg0 : i32 to index
    %get3A_57 = memref.load %arg1[%get3A_55, %get3A_56] : memref<2x80xi32, #tpu.memory_space<smem>>
    %get3A_58 = arith.constant 1 : index
    %get3A_59 = arith.index_cast %arg0 : i32 to index
    %get3A_60 = memref.load %arg1[%get3A_58, %get3A_59] : memref<2x80xi32, #tpu.memory_space<smem>>
    %broadcast_in_dim3A_61 = arith.constant 0.000000e+00 : f32
    %broadcast_in_dim3A_62 = vector.broadcast %broadcast_in_dim3A_61 : f32 to vector<4096x128xf32>
    %while3A = arith.subi %get3A_60, %get3A_57 : i32
    %while3A_63 = arith.addi %get3A_57, %while3A : i32
    %while3A_64 = arith.constant 1 : i32
    %while3A_65 = arith.divsi %while3A, %while3A_64 : i32
    %while3A_66 = arith.muli %while3A_65, %while3A_64 : i32
    %while3A_67 = arith.addi %get3A_57, %while3A_66 : i32
    %while3A_68 = arith.constant 1 : i32
    %while3A_69 = scf.for %while3A_127 = %get3A_57 to %while3A_67 step %while3A_68 iter_args(%while3A_128 = %broadcast_in_dim3A_62) -> (vector<4096x128xf32>)  : i32 {
      %mul3A_129 = arith.constant 256 : i32
      %mul3A_130 = arith.muli %while3A_127, %mul3A_129 : i32
      %multiple_of3A = tpu.assume_multiple %mul3A_130, 256 : i32
      %get3A_131 = arith.index_cast %multiple_of3A : i32 to index
      %get3A_132 = arith.constant 0 : index
      %get3A_133 = vector.load %arg5[%get3A_131, %get3A_132] : memref<10240x128xbf16, #tpu.memory_space<vmem>>, vector<256x128xbf16>
      %get3A_134 = arith.index_cast %multiple_of3A : i32 to index
      %get3A_135 = arith.constant 0 : index
      %get3A_136 = vector.load %arg6[%get3A_134, %get3A_135] : memref<10240x128xbf16, #tpu.memory_space<vmem>>, vector<256x128xbf16>
      %iota3A = tpu.iota {dimensions = array<i32: 1>} : vector<1x256xi32>
      %add3A_137 = vector.broadcast %multiple_of3A : i32 to vector<1x256xi32>
      %add3A_138 = arith.addi %add3A_137, %iota3A : vector<1x256xi32>
      %eq3A = vector.broadcast %get3A_54 : vector<4096x1xi32> to vector<4096x256xi32>
      %eq3A_139 = vector.broadcast %add3A_138 : vector<1x256xi32> to vector<4096x256xi32>
      %eq3A_140 = arith.cmpi eq, %eq3A, %eq3A_139 : vector<4096x256xi32>
      %convert_element_type3A_141 = arith.extui %eq3A_140 : vector<4096x256xi1> to vector<4096x256xi32>
      %convert_element_type3A_142 = arith.sitofp %convert_element_type3A_141 : vector<4096x256xi32> to vector<4096x256xf32>
      %convert_element_type3A_143 = arith.truncf %convert_element_type3A_142 : vector<4096x256xf32> to vector<4096x256xbf16>
      %dot_general3A_144 = arith.constant dense<0.000000e+00> : vector<4096x128xf32>
      %dot_general3A_145 = tpu.matmul %convert_element_type3A_143, %get3A_133, %dot_general3A_144 {dimension_numbers = #tpu.dot_dimension_numbers<[1], [0], [0], [1], [0, 0, 1, 1], [], []>, transpose_lhs_hint = false} : vector<4096x256xbf16>, vector<256x128xbf16>, vector<4096x128xf32> -> vector<4096x128xf32>
      %add3A_146 = arith.addf %while3A_128, %dot_general3A_145 : vector<4096x128xf32>
      %dot_general3A_147 = arith.constant dense<0.000000e+00> : vector<4096x128xf32>
      %dot_general3A_148 = tpu.matmul %convert_element_type3A_143, %get3A_136, %dot_general3A_147 {dimension_numbers = #tpu.dot_dimension_numbers<[1], [0], [0], [1], [0, 0, 1, 1], [], []>, transpose_lhs_hint = false} : vector<4096x256xbf16>, vector<256x128xbf16>, vector<4096x128xf32> -> vector<4096x128xf32>
      %add3A_149 = arith.addf %add3A_146, %dot_general3A_148 : vector<4096x128xf32>
      scf.yield %add3A_149 : vector<4096x128xf32>
    }
    %while3A_70 = arith.constant 1 : i32
    %while3A_71 = scf.for %while3A_127 = %while3A_67 to %while3A_63 step %while3A_70 iter_args(%while3A_128 = %while3A_69) -> (vector<4096x128xf32>)  : i32 {
      %mul3A_129 = arith.constant 256 : i32
      %mul3A_130 = arith.muli %while3A_127, %mul3A_129 : i32
      %multiple_of3A = tpu.assume_multiple %mul3A_130, 256 : i32
      %get3A_131 = arith.index_cast %multiple_of3A : i32 to index
      %get3A_132 = arith.constant 0 : index
      %get3A_133 = vector.load %arg5[%get3A_131, %get3A_132] : memref<10240x128xbf16, #tpu.memory_space<vmem>>, vector<256x128xbf16>
      %get3A_134 = arith.index_cast %multiple_of3A : i32 to index
      %get3A_135 = arith.constant 0 : index
      %get3A_136 = vector.load %arg6[%get3A_134, %get3A_135] : memref<10240x128xbf16, #tpu.memory_space<vmem>>, vector<256x128xbf16>
      %iota3A = tpu.iota {dimensions = array<i32: 1>} : vector<1x256xi32>
      %add3A_137 = vector.broadcast %multiple_of3A : i32 to vector<1x256xi32>
      %add3A_138 = arith.addi %add3A_137, %iota3A : vector<1x256xi32>
      %eq3A = vector.broadcast %get3A_54 : vector<4096x1xi32> to vector<4096x256xi32>
      %eq3A_139 = vector.broadcast %add3A_138 : vector<1x256xi32> to vector<4096x256xi32>
      %eq3A_140 = arith.cmpi eq, %eq3A, %eq3A_139 : vector<4096x256xi32>
      %convert_element_type3A_141 = arith.extui %eq3A_140 : vector<4096x256xi1> to vector<4096x256xi32>
      %convert_element_type3A_142 = arith.sitofp %convert_element_type3A_141 : vector<4096x256xi32> to vector<4096x256xf32>
      %convert_element_type3A_143 = arith.truncf %convert_element_type3A_142 : vector<4096x256xf32> to vector<4096x256xbf16>
      %dot_general3A_144 = arith.constant dense<0.000000e+00> : vector<4096x128xf32>
      %dot_general3A_145 = tpu.matmul %convert_element_type3A_143, %get3A_133, %dot_general3A_144 {dimension_numbers = #tpu.dot_dimension_numbers<[1], [0], [0], [1], [0, 0, 1, 1], [], []>, transpose_lhs_hint = false} : vector<4096x256xbf16>, vector<256x128xbf16>, vector<4096x128xf32> -> vector<4096x128xf32>
      %add3A_146 = arith.addf %while3A_128, %dot_general3A_145 : vector<4096x128xf32>
      %dot_general3A_147 = arith.constant dense<0.000000e+00> : vector<4096x128xf32>
      %dot_general3A_148 = tpu.matmul %convert_element_type3A_143, %get3A_136, %dot_general3A_147 {dimension_numbers = #tpu.dot_dimension_numbers<[1], [0], [0], [1], [0, 0, 1, 1], [], []>, transpose_lhs_hint = false} : vector<4096x256xbf16>, vector<256x128xbf16>, vector<4096x128xf32> -> vector<4096x128xf32>
      %add3A_149 = arith.addf %add3A_146, %dot_general3A_148 : vector<4096x128xf32>
      scf.yield %add3A_149 : vector<4096x128xf32>
    }
    %mul3A_72 = arith.mulf %while3A_71, %mul3A_51 : vector<4096x128xf32>
    %reshape3A = vector.shape_cast %mul3A_72 : vector<4096x128xf32> to vector<128x32x128xf32>
    %reduce_sum3A = arith.constant dense<0.000000e+00> : vector<128x128xf32>
    %reduce_sum3A_73 = vector.multi_reduction <add>, %reshape3A, %reduce_sum3A [1] : vector<128x32x128xf32> to vector<128x128xf32>
    %get3A_74 = arith.constant 0 : index
    %get3A_75 = arith.constant 0 : index
    %get3A_76 = vector.load %arg12[%get3A_74, %get3A_75] : memref<128x128xf32, #tpu.memory_space<vmem>>, vector<128x128xf32>
    %dot_general3A_77 = arith.constant dense<0.000000e+00> : vector<128x128xf32>
    %dot_general3A_78 = tpu.matmul %reduce_sum3A_73, %get3A_76, %dot_general3A_77 {dimension_numbers = #tpu.dot_dimension_numbers<[1], [0], [0], [1], [0, 0, 1, 1], [], []>, transpose_lhs_hint = false} : vector<128x128xf32>, vector<128x128xf32>, vector<128x128xf32> -> vector<128x128xf32>
    %get3A_79 = arith.constant 0 : index
    %get3A_80 = arith.constant 0 : index
    %get3A_81 = vector.load %arg13[%get3A_79, %get3A_80] : memref<1x128xf32, #tpu.memory_space<vmem>>, vector<1x128xf32>
    %add3A_82 = vector.broadcast %get3A_81 : vector<1x128xf32> to vector<128x128xf32>
    %add3A_83 = arith.addf %dot_general3A_78, %add3A_82 : vector<128x128xf32>
    %max3A_84 = arith.constant 0.000000e+00 : f32
    %max3A_85 = vector.broadcast %max3A_84 : f32 to vector<128x128xf32>
    %max3A_86 = arith.maximumf %add3A_83, %max3A_85 : vector<128x128xf32>
    %abs3A_87 = math.absf %add3A_83 : vector<128x128xf32>
    %neg3A_88 = arith.constant 0.000000e+00 : f32
    %neg3A_89 = vector.broadcast %neg3A_88 : f32 to vector<128x128xf32>
    %neg3A_90 = arith.subf %neg3A_89, %abs3A_87 : vector<128x128xf32>
    %exp3A_91 = math.exp %neg3A_90 : vector<128x128xf32>
    %log1p3A_92 = math.log1p %exp3A_91 : vector<128x128xf32>
    %add3A_93 = arith.addf %max3A_86, %log1p3A_92 : vector<128x128xf32>
    %sub3A_94 = arith.constant 0.693147182 : f32
    %sub3A_95 = vector.broadcast %sub3A_94 : f32 to vector<128x128xf32>
    %sub3A_96 = arith.subf %add3A_93, %sub3A_95 : vector<128x128xf32>
    %get3A_97 = arith.constant 0 : index
    %get3A_98 = arith.constant 0 : index
    %get3A_99 = vector.load %arg4[%get3A_97, %get3A_98] : memref<128x128xf32, #tpu.memory_space<vmem>>, vector<128x128xf32>
    %get3A_100 = arith.constant 0 : index
    %get3A_101 = arith.constant 0 : index
    %get3A_102 = vector.load %arg14[%get3A_100, %get3A_101] : memref<128x128xf32, #tpu.memory_space<vmem>>, vector<128x128xf32>
    %dot_general3A_103 = arith.constant dense<0.000000e+00> : vector<128x128xf32>
    %dot_general3A_104 = tpu.matmul %sub3A_96, %get3A_102, %dot_general3A_103 {dimension_numbers = #tpu.dot_dimension_numbers<[1], [0], [0], [1], [0, 0, 1, 1], [], []>, transpose_lhs_hint = false} : vector<128x128xf32>, vector<128x128xf32>, vector<128x128xf32> -> vector<128x128xf32>
    %add3A_105 = arith.addf %get3A_99, %dot_general3A_104 : vector<128x128xf32>
    %get3A_106 = arith.constant 0 : index
    %get3A_107 = arith.constant 0 : index
    %get3A_108 = vector.load %arg15[%get3A_106, %get3A_107] : memref<1x128xf32, #tpu.memory_space<vmem>>, vector<1x128xf32>
    %add3A_109 = vector.broadcast %get3A_108 : vector<1x128xf32> to vector<128x128xf32>
    %add3A_110 = arith.addf %add3A_105, %add3A_109 : vector<128x128xf32>
    %swap3A = arith.constant 0 : index
    %swap3A_111 = arith.constant 0 : index
    %swap3A_112 = vector.load %arg17[%swap3A, %swap3A_111] : memref<128x128xf32, #tpu.memory_space<vmem>>, vector<128x128xf32>
    tpu.vector_store %arg17[%swap3A, %swap3A_111], %add3A_110 {strides = array<i32>} : memref<128x128xf32, #tpu.memory_space<vmem>>, vector<128x128xf32>,
    %get3A_113 = arith.constant 0 : index
    %get3A_114 = arith.constant 0 : index
    %get3A_115 = vector.load %arg16[%get3A_113, %get3A_114] : memref<128x128xf32, #tpu.memory_space<vmem>>, vector<128x128xf32>
    %dot_general3A_116 = arith.constant dense<0.000000e+00> : vector<128x128xf32>
    %dot_general3A_117 = tpu.matmul %add3A_110, %get3A_115, %dot_general3A_116 {dimension_numbers = #tpu.dot_dimension_numbers<[1], [0], [0], [1], [0, 0, 1, 1], [], []>, transpose_lhs_hint = false} : vector<128x128xf32>, vector<128x128xf32>, vector<128x128xf32> -> vector<128x128xf32>
    %convert_element_type3A = arith.truncf %dot_general3A_117 : vector<128x128xf32> to vector<128x128xbf16>
    %convert_element_type3A_118 = arith.extf %convert_element_type3A : vector<128x128xbf16> to vector<128x128xf32>
    %sub3A_119 = arith.subf %dot_general3A_117, %convert_element_type3A_118 : vector<128x128xf32>
    %convert_element_type3A_120 = arith.truncf %sub3A_119 : vector<128x128xf32> to vector<128x128xbf16>
    %swap3A_121 = arith.constant 0 : index
    %swap3A_122 = arith.constant 0 : index
    %swap3A_123 = vector.load %arg18[%swap3A_121, %swap3A_122] : memref<128x128xbf16, #tpu.memory_space<vmem>>, vector<128x128xbf16>
    tpu.vector_store %arg18[%swap3A_121, %swap3A_122], %convert_element_type3A {strides = array<i32>} : memref<128x128xbf16, #tpu.memory_space<vmem>>, vector<128x128xbf16>,
    %swap3A_124 = arith.constant 0 : index
    %swap3A_125 = arith.constant 0 : index
    %swap3A_126 = vector.load %arg19[%swap3A_124, %swap3A_125] : memref<128x128xbf16, #tpu.memory_space<vmem>>, vector<128x128xbf16>
    tpu.vector_store %arg19[%swap3A_124, %swap3A_125], %convert_element_type3A_120 {strides = array<i32>} : memref<128x128xbf16, #tpu.memory_space<vmem>>, vector<128x128xbf16>,
    return
  }
  func.func @transform_0(%arg0: i32, %arg1: memref<2x80xi32, #tpu.memory_space<smem>>) -> (i32, i32) {
    %c0_i32 = arith.constant 0 : i32
    %c0_i32_0 = arith.constant 0 : i32
    return %arg0, %c0_i32 : i32, i32
  }
  func.func @transform_1(%arg0: i32, %arg1: memref<2x80xi32, #tpu.memory_space<smem>>) -> (i32, i32) {
    %c0_i32 = arith.constant 0 : i32
    %c0_i32_0 = arith.constant 0 : i32
    return %arg0, %c0_i32 : i32, i32
  }
  func.func @transform_2(%arg0: i32, %arg1: memref<2x80xi32, #tpu.memory_space<smem>>) -> (i32, i32) {
    %c0_i32 = arith.constant 0 : i32
    %c0_i32_0 = arith.constant 0 : i32
    return %arg0, %c0_i32 : i32, i32
  }
  func.func @transform_3(%arg0: i32, %arg1: memref<2x80xi32, #tpu.memory_space<smem>>) -> (i32, i32) {
    %c0_i32 = arith.constant 0 : i32
    %c0_i32_0 = arith.constant 0 : i32
    %c0_i32_1 = arith.constant 0 : i32
    return %c0_i32, %c0_i32_0 : i32, i32
  }
  func.func @transform_4(%arg0: i32, %arg1: memref<2x80xi32, #tpu.memory_space<smem>>) -> (i32, i32) {
    %c0_i32 = arith.constant 0 : i32
    %c0_i32_0 = arith.constant 0 : i32
    %c0_i32_1 = arith.constant 0 : i32
    return %c0_i32, %c0_i32_0 : i32, i32
  }
  func.func @transform_5(%arg0: i32, %arg1: memref<2x80xi32, #tpu.memory_space<smem>>) -> (i32, i32) {
    %c0_i32 = arith.constant 0 : i32
    %c0_i32_0 = arith.constant 0 : i32
    %c0_i32_1 = arith.constant 0 : i32
    return %c0_i32, %c0_i32_0 : i32, i32
  }
  func.func @transform_6(%arg0: i32, %arg1: memref<2x80xi32, #tpu.memory_space<smem>>) -> (i32, i32) {
    %c0_i32 = arith.constant 0 : i32
    %c0_i32_0 = arith.constant 0 : i32
    %c0_i32_1 = arith.constant 0 : i32
    return %c0_i32, %c0_i32_0 : i32, i32
  }
  func.func @transform_7(%arg0: i32, %arg1: memref<2x80xi32, #tpu.memory_space<smem>>) -> (i32, i32) {
    %c0_i32 = arith.constant 0 : i32
    %c0_i32_0 = arith.constant 0 : i32
    %c0_i32_1 = arith.constant 0 : i32
    return %c0_i32, %c0_i32_0 : i32, i32
  }
  func.func @transform_8(%arg0: i32, %arg1: memref<2x80xi32, #tpu.memory_space<smem>>) -> (i32, i32) {
    %c0_i32 = arith.constant 0 : i32
    %c0_i32_0 = arith.constant 0 : i32
    %c0_i32_1 = arith.constant 0 : i32
    return %c0_i32, %c0_i32_0 : i32, i32
  }
  func.func @transform_9(%arg0: i32, %arg1: memref<2x80xi32, #tpu.memory_space<smem>>) -> (i32, i32) {
    %c0_i32 = arith.constant 0 : i32
    %c0_i32_0 = arith.constant 0 : i32
    %c0_i32_1 = arith.constant 0 : i32
    return %c0_i32, %c0_i32_0 : i32, i32
  }
  func.func @transform_10(%arg0: i32, %arg1: memref<2x80xi32, #tpu.memory_space<smem>>) -> (i32, i32) {
    %c0_i32 = arith.constant 0 : i32
    %c0_i32_0 = arith.constant 0 : i32
    %c0_i32_1 = arith.constant 0 : i32
    return %c0_i32, %c0_i32_0 : i32, i32
  }
  func.func @transform_11(%arg0: i32, %arg1: memref<2x80xi32, #tpu.memory_space<smem>>) -> (i32, i32) {
    %c0_i32 = arith.constant 0 : i32
    %c0_i32_0 = arith.constant 0 : i32
    %c0_i32_1 = arith.constant 0 : i32
    return %c0_i32, %c0_i32_0 : i32, i32
  }
  func.func @transform_12(%arg0: i32, %arg1: memref<2x80xi32, #tpu.memory_space<smem>>) -> (i32, i32) {
    %c0_i32 = arith.constant 0 : i32
    %c0_i32_0 = arith.constant 0 : i32
    %c0_i32_1 = arith.constant 0 : i32
    return %c0_i32, %c0_i32_0 : i32, i32
  }
  func.func @transform_13(%arg0: i32, %arg1: memref<2x80xi32, #tpu.memory_space<smem>>) -> (i32, i32) {
    %c0_i32 = arith.constant 0 : i32
    %c0_i32_0 = arith.constant 0 : i32
    %c0_i32_1 = arith.constant 0 : i32
    return %c0_i32, %c0_i32_0 : i32, i32
  }
  func.func @transform_14(%arg0: i32, %arg1: memref<2x80xi32, #tpu.memory_space<smem>>) -> (i32, i32) {
    %c0_i32 = arith.constant 0 : i32
    %c0_i32_0 = arith.constant 0 : i32
    %c0_i32_1 = arith.constant 0 : i32
    return %c0_i32, %c0_i32_0 : i32, i32
  }
  func.func @transform_15(%arg0: i32, %arg1: memref<2x80xi32, #tpu.memory_space<smem>>) -> (i32, i32) {
    %c0_i32 = arith.constant 0 : i32
    %c0_i32_0 = arith.constant 0 : i32
    return %arg0, %c0_i32 : i32, i32
  }
  func.func @transform_16(%arg0: i32, %arg1: memref<2x80xi32, #tpu.memory_space<smem>>) -> (i32, i32) {
    %c0_i32 = arith.constant 0 : i32
    %c0_i32_0 = arith.constant 0 : i32
    return %arg0, %c0_i32 : i32, i32
  }
  func.func @transform_17(%arg0: i32, %arg1: memref<2x80xi32, #tpu.memory_space<smem>>) -> (i32, i32) {
    %c0_i32 = arith.constant 0 : i32
    %c0_i32_0 = arith.constant 0 : i32
    return %arg0, %c0_i32 : i32, i32
  }
}

module attributes {stable_mosaic.version = 14 : i64} {
  func.func @_final_kernel(%arg0: i32, %arg1: memref<256x128xf32, #tpu.memory_space<vmem>>, %arg2: memref<128x256xf32, #tpu.memory_space<vmem>>, %arg3: memref<1x256xf32, #tpu.memory_space<vmem>>, %arg4: memref<1x256xf32, #tpu.memory_space<vmem>>, %arg5: memref<1x256xf32, #tpu.memory_space<vmem>>, %arg6: memref<256x256xf32, #tpu.memory_space<vmem>>) attributes {dimension_semantics = [#tpu.dimension_semantics<arbitrary>], iteration_bounds = array<i64: 40>, scalar_prefetch = 0 : i64, scratch_operands = 0 : i64, tpu.core_type = #tpu.core_type<tc>, window_params = [{transform_indices = @transform_0, window_bounds = array<i64: 256, 128>}, {pipeline_mode = #tpu.pipeline_mode<synchronous>, transform_indices = @transform_1, window_bounds = array<i64: 128, 256>}, {pipeline_mode = #tpu.pipeline_mode<synchronous>, transform_indices = @transform_2, window_bounds = array<i64: 1, 256>}, {pipeline_mode = #tpu.pipeline_mode<synchronous>, transform_indices = @transform_3, window_bounds = array<i64: 1, 256>}, {pipeline_mode = #tpu.pipeline_mode<synchronous>, transform_indices = @transform_4, window_bounds = array<i64: 1, 256>}, {transform_indices = @transform_5, window_bounds = array<i64: 256, 256>}]} {
    %get3A = arith.constant 0 : index
    %get3A_0 = arith.constant 0 : index
    %get3A_1 = vector.load %arg1[%get3A, %get3A_0] : memref<256x128xf32, #tpu.memory_space<vmem>>, vector<256x128xf32>
    %get3A_2 = arith.constant 0 : index
    %get3A_3 = arith.constant 0 : index
    %get3A_4 = vector.load %arg2[%get3A_2, %get3A_3] : memref<128x256xf32, #tpu.memory_space<vmem>>, vector<128x256xf32>
    %dot_general3A = arith.constant dense<0.000000e+00> : vector<256x256xf32>
    %dot_general3A_5 = tpu.matmul %get3A_1, %get3A_4, %dot_general3A {dimension_numbers = #tpu.dot_dimension_numbers<[1], [0], [0], [1], [0, 0, 1, 1], [], []>, precision = #tpu.contract_precision<fp32>, transpose_lhs_hint = false} : vector<256x128xf32>, vector<128x256xf32>, vector<256x256xf32> -> vector<256x256xf32>
    %get3A_6 = arith.constant 0 : index
    %get3A_7 = arith.constant 0 : index
    %get3A_8 = vector.load %arg3[%get3A_6, %get3A_7] : memref<1x256xf32, #tpu.memory_space<vmem>>, vector<1x256xf32>
    %add3A = vector.broadcast %get3A_8 : vector<1x256xf32> to vector<256x256xf32>
    %add3A_9 = arith.addf %dot_general3A_5, %add3A : vector<256x256xf32>
    %reduce_sum3A = arith.constant dense<0.000000e+00> : vector<256xf32>
    %reduce_sum3A_10 = vector.multi_reduction <add>, %add3A_9, %reduce_sum3A [1] : vector<256x256xf32> to vector<256xf32>
    %broadcast_in_dim3A = vector.shape_cast %reduce_sum3A_10 : vector<256xf32> to vector<256x1xf32>
    %div3A = arith.constant 2.560000e+02 : f32
    %div3A_11 = vector.broadcast %div3A : f32 to vector<256x1xf32>
    %div3A_12 = arith.divf %broadcast_in_dim3A, %div3A_11 : vector<256x1xf32>
    %sub3A = vector.broadcast %div3A_12 : vector<256x1xf32> to vector<256x256xf32>
    %sub3A_13 = arith.subf %add3A_9, %sub3A : vector<256x256xf32>
    %integer_pow3A = arith.mulf %sub3A_13, %sub3A_13 : vector<256x256xf32>
    %reduce_sum3A_14 = arith.constant dense<0.000000e+00> : vector<256xf32>
    %reduce_sum3A_15 = vector.multi_reduction <add>, %integer_pow3A, %reduce_sum3A_14 [1] : vector<256x256xf32> to vector<256xf32>
    %broadcast_in_dim3A_16 = vector.shape_cast %reduce_sum3A_15 : vector<256xf32> to vector<256x1xf32>
    %div3A_17 = arith.constant 2.560000e+02 : f32
    %div3A_18 = vector.broadcast %div3A_17 : f32 to vector<256x1xf32>
    %div3A_19 = arith.divf %broadcast_in_dim3A_16, %div3A_18 : vector<256x1xf32>
    %sub3A_20 = vector.broadcast %div3A_12 : vector<256x1xf32> to vector<256x256xf32>
    %sub3A_21 = arith.subf %add3A_9, %sub3A_20 : vector<256x256xf32>
    %add3A_22 = arith.constant 9.99999974E-6 : f32
    %add3A_23 = vector.broadcast %add3A_22 : f32 to vector<256x1xf32>
    %add3A_24 = arith.addf %div3A_19, %add3A_23 : vector<256x1xf32>
    %sqrt3A = math.sqrt %add3A_24 : vector<256x1xf32>
    %div3A_25 = vector.broadcast %sqrt3A : vector<256x1xf32> to vector<256x256xf32>
    %div3A_26 = arith.divf %sub3A_21, %div3A_25 : vector<256x256xf32>
    %get3A_27 = arith.constant 0 : index
    %get3A_28 = arith.constant 0 : index
    %get3A_29 = vector.load %arg4[%get3A_27, %get3A_28] : memref<1x256xf32, #tpu.memory_space<vmem>>, vector<1x256xf32>
    %mul3A = vector.broadcast %get3A_29 : vector<1x256xf32> to vector<256x256xf32>
    %mul3A_30 = arith.mulf %div3A_26, %mul3A : vector<256x256xf32>
    %get3A_31 = arith.constant 0 : index
    %get3A_32 = arith.constant 0 : index
    %get3A_33 = vector.load %arg5[%get3A_31, %get3A_32] : memref<1x256xf32, #tpu.memory_space<vmem>>, vector<1x256xf32>
    %add3A_34 = vector.broadcast %get3A_33 : vector<1x256xf32> to vector<256x256xf32>
    %add3A_35 = arith.addf %mul3A_30, %add3A_34 : vector<256x256xf32>
    %logistic3A = arith.negf %add3A_35 : vector<256x256xf32>
    %logistic3A_36 = math.exp %logistic3A : vector<256x256xf32>
    %logistic3A_37 = arith.constant 1.000000e+00 : f32
    %logistic3A_38 = vector.broadcast %logistic3A_37 : f32 to vector<256x256xf32>
    %logistic3A_39 = arith.addf %logistic3A_38, %logistic3A_36 : vector<256x256xf32>
    %logistic3A_40 = arith.divf %logistic3A_38, %logistic3A_39 : vector<256x256xf32>
    %mul3A_41 = arith.mulf %add3A_35, %logistic3A_40 : vector<256x256xf32>
    %swap3A = arith.constant 0 : index
    %swap3A_42 = arith.constant 0 : index
    %swap3A_43 = vector.load %arg6[%swap3A, %swap3A_42] : memref<256x256xf32, #tpu.memory_space<vmem>>, vector<256x256xf32>
    tpu.vector_store %arg6[%swap3A, %swap3A_42], %mul3A_41 {strides = array<i32>} : memref<256x256xf32, #tpu.memory_space<vmem>>, vector<256x256xf32>,
    return
  }
  func.func @transform_0(%arg0: i32) -> (i32, i32) {
    %c0_i32 = arith.constant 0 : i32
    %c0_i32_0 = arith.constant 0 : i32
    return %arg0, %c0_i32 : i32, i32
  }
  func.func @transform_1(%arg0: i32) -> (i32, i32) {
    %c0_i32 = arith.constant 0 : i32
    %c0_i32_0 = arith.constant 0 : i32
    %c0_i32_1 = arith.constant 0 : i32
    return %c0_i32, %c0_i32_0 : i32, i32
  }
  func.func @transform_2(%arg0: i32) -> (i32, i32) {
    %c0_i32 = arith.constant 0 : i32
    %c0_i32_0 = arith.constant 0 : i32
    %c0_i32_1 = arith.constant 0 : i32
    return %c0_i32, %c0_i32_0 : i32, i32
  }
  func.func @transform_3(%arg0: i32) -> (i32, i32) {
    %c0_i32 = arith.constant 0 : i32
    %c0_i32_0 = arith.constant 0 : i32
    %c0_i32_1 = arith.constant 0 : i32
    return %c0_i32, %c0_i32_0 : i32, i32
  }
  func.func @transform_4(%arg0: i32) -> (i32, i32) {
    %c0_i32 = arith.constant 0 : i32
    %c0_i32_0 = arith.constant 0 : i32
    %c0_i32_1 = arith.constant 0 : i32
    return %c0_i32, %c0_i32_0 : i32, i32
  }
  func.func @transform_5(%arg0: i32) -> (i32, i32) {
    %c0_i32 = arith.constant 0 : i32
    %c0_i32_0 = arith.constant 0 : i32
    return %arg0, %c0_i32 : i32, i32
  }
}

</mosaic_0001>

<sc_bundles>
// kernel: gather_offload_async_start.1
scs
__scs_entry_jumppad:
0x0: {  	(pc) =	sbr.rel $0x88, $3  }
0x1: {  	(tag) =	ssettag $0x0;
	lr =	simm.s32 $0x1  }
0x2: {  	[smem:$0x3F90] =	sst lr;
	_ =	strace $0xD0000000  }
0x3: {  	_ = 	snop  }
0x4: {  	_ = 	snop  }
0x5: {  	_ = 	snop  }
0x6: {  	_ = 	snop  }
0x7: {  	_ = 	snop  }
__scs_overlays_trampoline_lowered:
0x8: {  	[smem:$0x3F9F] =	sst s0  }
0x9: {  	[smem:$0x3FA0] =	sst s1  }
0xa: {  	[smem:$0x3FA1] =	sst s2  }
0xb: {  	[smem:$0x3FA2] =	sst s3  }
0xc: {  	[smem:$0x3FA3] =	sst s4  }
0xd: {  	[smem:$0x3FA4] =	sst s5  }
0xe: {  	[smem:$0x3FA5] =	sst s6  }
0xf: {  	[smem:$0x3FA6] =	sst s7  }
0x10: {  	[smem:$0x3FA7] =	sst s8  }
0x11: {  	[smem:$0x3FA8] =	sst s9;
	s0 =	simm.s32 @!p0 $0x0  }
0x12: {  	s1 =	sld [smem:$0x3F8E];
	s0 =	simm.s32 @p0 $0x1  }
0x13: {  	[smem:$0x3FA9] =	sst s0;
	s0 =	simm.s32 @!p1 $0x0  }
0x14: {  	s2 =	sld [smem:$0x3F8D];
	s0 =	simm.s32 @p1 $0x1  }
0x15: {  	[smem:$0x3FAA] =	sst s0;
	s0 =	simm.s32 @!p2 $0x0  }
0x16: {  	s3 =	sld [smem:$0x3FDB];
	s0 =	simm.s32 @p2 $0x1  }
0x17: {  	s4 =	simm.s32 $0x1BF5;
	[smem:$0x3FAC] =	sst s0  }
0x18: {  	s0 =	sld [smem:$0x3F8F];
	_ =	swait.ge [sflag:s4], $0x0  }
0x19: {  	s7 =	sld [smem:$0x3F90]  }
0x1a: {  	s8 =	sadd.s32 $0xFFFFE003, lr  }
0x1b: {  	s9 =	sadd.s32 $0xFFFFFEF7, lr;
	s5 =	simm.s32 $0xFFFFFFFF;
	p2 =	slt.u32 s8, $0xFFFFF086  }
0x1c: {  	p1 =	slt.u32 s9, $0xF7A;
	s5 =	simm.s32 @!p2 $0x0  }
0x1d: {  	s5 =	simm.s32 @p1 $0x1;
	p0 =	seq.s32 s7, s2  }
0x1e: {  	s7 =	smul.u32 @!p0 $0xF7A, s2;
	p2 =	seq.s32 @!p0 s5, $0x0  }
0x1f: {  	s9 =	smul.u32 $0xF7A, s1;
	s8 =	simm.s32 @!p0 $0x1BF5;
	p2 =	por !p2, p0  }
0x20: {  	[sflag:s8] =	ssyncset.s32 @!p0 $0xFFFFF086;
	s6 =	sadd.s32 @!p0 s3, s7;
	s7 =	simm.s32 @!p0 $0x108  }
0x21: {  	s3 =	sadd.s32 s3, s9;
	s6 =	sadd.s32 @!p0 $0x88, s6;
	s7 =	simm.s32 @p2 $0x1082  }
0x22: {  	[simem:s7], [sflag:s8] =	dma.local @!p0 [hbm:s6], $0xF7A  }
0x23: {  	s9 =	sor.u32 $0xD0000000, s2;
	s6 =	simm.s32 $0x108;
	_ =	swait.ge @!p0 [sflag:s8], $0x0  }
0x24: {  	s3 =	sadd.s32 $0x88, s3;
	s6 =	simm.s32 @!p1 $0x1082;
	[sflag:s4] =	ssyncset.s32 $0xFFFFF086  }
0x25: {  	[simem:s6], [sflag:s4] =	dma.local [hbm:s3], $0xF7A  }
0x26: {  	[smem:$0x3F90] =	sst s1;
	(tag) =	ssettag s2;
	_ =	strace s9  }
0x27: {  	s1 =	sld [smem:$0x3FA0]  }
0x28: {  	s2 =	sld [smem:$0x3FA1]  }
0x29: {  	s4 =	sld [smem:$0x3FA3]  }
0x2a: {  	p0 =	seq.s32 s5, $0x0;
	s5 =	sld [smem:$0x3FA4]  }
0x2b: {  	s6 =	sld [smem:$0x3FA5]  }
0x2c: {  	s7 =	sld [smem:$0x3FA6]  }
0x2d: {  	s3 =	simm.s32 $0x108;
	s8 =	sld [smem:$0x3FA7]  }
0x2e: {  	s3 =	simm.s32 @!p0 $0x1082;
	s9 =	sld [smem:$0x3FA8]  }
0x2f: {  	lr =	sadd.s32 s0, s3;
	s0 =	sld [smem:$0x3F9F]  }
0x30: {  	s3 =	sld [smem:$0x3FA2]  }
0x31: {  	[smem:$0x3FAB] =	sst s10  }
0x32: {  	s10 =	sld [smem:$0x3FA9];
	_ =	sdelay $0x3  }
0x33: {  	p0 =	seq.s32 s10, $0x1;
	s10 =	sld [smem:$0x3FAB];
	_ =	sdelay $0x3  }
0x34: {  	[smem:$0x3FAB] =	sst s10  }
0x35: {  	s10 =	sld [smem:$0x3FAA];
	_ =	sdelay $0x3  }
0x36: {  	p1 =	seq.s32 s10, $0x1;
	s10 =	sld [smem:$0x3FAB];
	_ =	sdelay $0x3  }
0x37: {  	[smem:$0x3FAB] =	sst s10  }
0x38: {  	s10 =	sld [smem:$0x3FAC]  }
0x39: {  	_ = 	snop;
	(pc) =	sbr.ind lr, $3  }
0x3a: {  	_ = 	snop  }
0x3b: {  	_ = 	snop  }
0x3c: {  	p2 =	seq.s32 s10, $0x1;
	s10 =	sld [smem:$0x3FAB]  }
0x3d: {  	_ =	shalt  }
0x3e: {  	_ =	shalt  }
0x3f: {  	_ =	shalt  }
0x40: {  	_ =	shalt  }
0x41: {  	_ =	shalt  }
0x42: {  	_ =	shalt  }
0x43: {  	_ =	shalt  }
0x44: {  	_ =	shalt  }
0x45: {  	_ =	shalt  }
0x46: {  	_ =	shalt  }
0x47: {  	_ =	shalt  }
0x48: {  	_ =	shalt  }
0x49: {  	_ =	shalt  }
0x4a: {  	_ =	shalt  }
0x4b: {  	_ =	shalt  }
0x4c: {  	_ =	shalt  }
0x4d: {  	_ =	shalt  }
0x4e: {  	_ =	shalt  }
0x4f: {  	_ =	shalt  }
0x50: {  	_ =	shalt  }
0x51: {  	_ =	shalt  }
0x52: {  	_ =	shalt  }
0x53: {  	_ =	shalt  }
0x54: {  	_ =	shalt  }
0x55: {  	_ =	shalt  }
0x56: {  	_ =	shalt  }
0x57: {  	_ =	shalt  }
0x58: {  	_ =	shalt  }
0x59: {  	_ =	shalt  }
0x5a: {  	_ =	shalt  }
0x5b: {  	_ =	shalt  }
0x5c: {  	_ =	shalt  }
0x5d: {  	_ =	shalt  }
0x5e: {  	_ =	shalt  }
0x5f: {  	_ =	shalt  }
0x60: {  	_ =	shalt  }
0x61: {  	_ =	shalt  }
0x62: {  	_ =	shalt  }
0x63: {  	_ =	shalt  }
0x64: {  	_ =	shalt  }
0x65: {  	_ =	shalt  }
0x66: {  	_ =	shalt  }
0x67: {  	_ =	shalt  }
0x68: {  	_ =	shalt  }
0x69: {  	_ =	shalt  }
0x6a: {  	_ =	shalt  }
0x6b: {  	_ =	shalt  }
0x6c: {  	_ =	shalt  }
0x6d: {  	_ =	shalt  }
0x6e: {  	_ =	shalt  }
0x6f: {  	_ =	shalt  }
0x70: {  	_ =	shalt  }
0x71: {  	_ =	shalt  }
0x72: {  	_ =	shalt  }
0x73: {  	_ =	shalt  }
0x74: {  	_ =	shalt  }
0x75: {  	_ =	shalt  }
0x76: {  	_ =	shalt  }
0x77: {  	_ =	shalt  }
0x78: {  	_ =	shalt  }
0x79: {  	_ =	shalt  }
0x7a: {  	_ =	shalt  }
0x7b: {  	_ =	shalt  }
0x7c: {  	_ =	shalt  }
0x7d: {  	_ =	shalt  }
0x7e: {  	_ =	shalt  }
0x7f: {  	_ =	shalt  }
0x80: {  	_ =	shalt  }
0x81: {  	_ =	shalt  }
0x82: {  	_ =	shalt  }
0x83: {  	_ =	shalt  }
0x84: {  	_ =	shalt  }
0x85: {  	_ =	shalt  }
0x86: {  	_ =	shalt  }
0x87: {  	_ =	shalt  }
.Lfunc_end0:
.L_simem_size_0:
called_computation.1_lowered:
.L_overlay_start_0:
0x88: {  	s0 =	sld [smem:$0x3FD9]  }
0x89: {  	s1 =	sld [smem:$0x3FFE];
	_ =	sdelay $0x3  }
0x8a: {  	s0 =	sadd.s32 s1, s0  }
0x8b: {  	[smem:$0x3FB7] =	sst s0  }
0x8c: {  	_ = 	snop  }
0x8d: {  	s0 =	sld [smem:$0x3FD0];
	_ =	sdelay $0x2  }
0x8e: {  	s2 =	simm.s32 $0xA;
	s3 =	simm.s32 $0x10;
	s13 =	sld [smem:$0x3FC7]  }
0x8f: {  	[smem:s3], [sflag:s2] =	dma.local [hbm:s0], $0x1  }
0x90: {  	_ =	swait.eq [sflag:s2], $0x1  }
0x91: {  	[sflag:s2] =	ssyncset.done $0x0  }
0x92: {  	[sflag:s2] =	ssyncadd.s32 $0xFFFFFFFF  }
0x93: {  	s14 =	sld [smem:$0x10];
	(tm) =	ssettm $0x1  }
0x94: {  	s15 =	sld [smem:$0x3FFB];
	_ =	sdelay $0x3  }
0x95: {  	_ =	strace s15  }
0x96: {  	s2 =	sld [smem:$0x3FFC];
	_ =	sdelay $0x3  }
0x97: {  	_ =	strace s2  }
0x98: {  	s2 =	sld [smem:$0x3FFD];
	_ =	sdelay $0x3  }
0x99: {  	_ =	strace s2  }
0x9a: {  	_ =	strace $0x8FFFFFFF  }
0x9b: {  	s16 =	sld [smem:$0x3FDB];
	_ =	sdelay $0x1  }
0x9c: {  	s17 =	simm.s32 $_scs_section_size  }
0x9d: {  	s4 =	simm.s32 $_size__tile_overlayer_lowered;
	s5 =	simm.s32 $_tile_overlayer_lowered  }
0x9e: {  	s20 =	simm.s32 $0x1BFF;
	s19 =	sshll.u32 s5, $0x1;
	s2 =	sadd.s32 s17, s16  }
0x9f: {  	s6 =	simm.s32 $0x0;
	s18 =	sshll.u32 s4, $0x1;
	s4 =	sadd.s32 s19, s2  }
0xa0: {  	[timem:s6], [sflag:s20] =	dma.local [hbm:s4], s18  }
0xa1: {  	_ =	swait.ge [sflag:s20], s18  }
0xa2: {  	s3 =	ssub.s32 $0x0, s18;
	[sflag:s20] =	ssyncset.done $0x0  }
0xa3: {  	[sflag:s20] =	ssyncadd.s32 s3;
	_ =	sdelay $0x1  }
0xa4: {  	s21 =	simm.s32 $0x1B8B  }
0xa5: {  	_ =	swait.ge [sflag:s21], $0x1  }
0xa6: {  	[sflag:s21] =	ssyncset.done $0x0  }
0xa7: {  	s23 =	simm.s32 $0x1B8E;
	s22 =	sld [smem:$0x3FFE];
	[sflag:s21] =	ssyncadd.s32 $0xFFFFFFFF  }
0xa8: {  	s24 =	simm.s32 $execute0_lowered;
	[smem:$0x3FD2] =	sst s23  }
0xa9: {  	s4 =	sshll.u32 s24, $0x1;
	_ =	strace $0x80000049;
	[dreg:$0x1] =	wrdreg $0xFFFFFFFF  }
0xaa: {  	s25 =	simm.s32 $_size_execute0_lowered;
	s2 =	sadd.s32 s2, s4;
	[dreg:$0x0] =	wrdreg $0x0  }
0xab: {  	s4 =	sshll.u32 s25, $0x1;
	[dreg:$0x2] =	wrdreg s2  }
0xac: {  	[dreg:$0x3] =	wrdreg s4  }
0xad: {  	[dreg:$0x4] =	wrdreg $0xC0  }
0xae: {  	_ =	task [dreg:s6], $0x5FFFF  }
0xaf: {  	[dreg:$0x1] =	wrdreg $0xFFFFFFFF  }
0xb0: {  	[dreg:$0x0] =	wrdreg $0x60  }
0xb1: {  	[dreg:$0x2] =	wrdreg s13  }
0xb2: {  	[dreg:$0x3] =	wrdreg s14  }
0xb3: {  	[dreg:$0x4] =	wrdreg s22  }
0xb4: {  	[dreg:$0x5] =	wrdreg $0x9  }
0xb5: {  	_ =	task.clear_ibuf [dreg:s6], $0x6FFFF;
	_ =	strace $0x90000049  }
0xb6: {  	s26 =	simm.s32 $0x9;
	_ =	strace $0x8000004B  }
0xb7: {  	_ =	swait.ge [sflag:s26], $0x1  }
0xb8: {  	[sflag:s26] =	ssyncadd.s32 $0xFFFFFFFF  }
0xb9: {  	_ =	strace $0x9000004B  }
0xba: {  	_ =	sfence  }
0xbb: {  	s28 =	sld [smem:$0x0];
	_ =	sdelay $0x1  }
0xbc: {  	s29 =	srdreg.scid  }
0xbd: {  	s30 =	sshll.u32 s29, $0xD;
	s31 =	sshrl.u32 s29, $0x2  }
0xbe: {  	s1 =	sand.u32 $0x1, s29;
	s2 =	sand.u32 $0x4000, s30;
	s0 =	sadd.s32 s31, s28  }
0xbf: {  	s1 =	sor.u32 s2, s1;
	s0 =	sshll.u32 s0, $0x11  }
0xc0: {  	s0 =	sor.u32 s0, s1  }
0xc1: {  	s0 =	sadd.s32 $0x8F2B, s0  }
0xc2: {  	[sflag:s0] =	ssyncadd.remote.s32 $0x1  }
0xc3: {  	_ =	sfence.sel $0xFFFF  }
0xc4: {  	[dreg:$0x0] =	wrdreg $0xFFFFFFFF;
	(pc) =	sbr.abs _section_cstart, $3  }
0xc5: {  	[dreg:$0x1] =	wrdreg $0xFFFFFFFF  }
0xc6: {  	_ =	task.clear_ibuf [dreg:s6], $0x2FFFF;
	_ =	strace $0x9FFFFFFF  }
0xc7: {  	(tm) =	ssettm $0x7FFFFFFF  }
tec
execute0_lowered:
.L_overlay_start_1:
0x0: {  	(tag) =	ssettag $0x1  }
0x1: {  	s2 =	rddreg [dreg:$0x0]  }
0x2: {  	s3 =	rddreg [dreg:$0x1]  }
0x3: {  	s8 =	rddreg [dreg:$0x2]  }
0x4: {  	s0 =	rddreg [dreg:$0x3];
	_ =	strace $0x8000004A;
	s4 =	simm.s32 $0x1  }
0x5: {  	s1 =	stileid.u32;
	s7 =	simm.s32 $0x1;
	s9 =	simm.s32 $0x1  }
0x6: {  	s6 =	simm.s32 $0x2;
	s10 =	simm.s32 $0x3;
	s13 =	simm.s32 $0x0  }
.Ltmp0:
0x7: {  	s12 =	simm.s32 $0x0;
	p0 =	slt.u32 s1, $0xA;
	(pc) =	sbr.rel .LBB2_1-.Ltmp0, $4  }
0x8: {  	[sflag:s4] =	ssyncpa.u1 $0x0;
	s7 =	simm.s32 @!p0 $0x0;
	p0 =	sne.s32 s1, $0x9  }
0x9: {  	s5 =	smul.u32 $0x190, s1;
	[sflag:s6] =	ssyncpa.u1 $0x0;
	s9 =	simm.s32 @!p0 $0x0  }
0xa: {  	s8 =	sadd.s32 $0xA800, s8;
	[sflag:s10] =	ssyncpa.u1 $0x0;
	s7 =	sadd.s32 s9, s7  }
0xb: {  	vm0 =	vmmov $0xffff;
	s10 =	simm.s32 $0x0;
	s11 =	smov.u32 s5;
	s9 =	sadd.s32 $0x1, s7  }
.LBB2_4:
0xc: {  	v2 =	vnsel vm1, $0x0, v2  }
0xd: {  	vm1 =	vgt.s32 v0, $0x0;
	v2 =	vmin.u32 v2, $0x270F  }
0xe: {  	v0 =	vnsel vm1, $0x0, v0  }
0xf: {  	v0 =	vmin.u32 v0, $0x270F  }
0x10: {  	[tilespmem:s18], [sflag:$0x1] =	stream.indirect_vreg.gather [hbm4b:s2+s10], $0x1, v1, vm0, $0x4038;
	[tilespmem:$0x640] =	vst v63  }
0x11: {  	(ifvalue) =	ssetifvalue $0x7FFFFFFF  }
0x12: {  	[tilespmem:s15], [sflag:$0x1] =	stream.indirect_vreg.gather [hbm4b:s2+s10], $0x1, v2, vm0, $0x4038;
	[tilespmem:$0x640] =	vst v63  }
0x13: {  	s29 =	sadd.s32 $0x10, s15;
	(ifvalue) =	ssetifvalue $0x7FFFFFFF  }
0x14: {  	[tilespmem:s29], [sflag:$0x1] =	stream.indirect_vreg.gather [hbm4b:s2+s10], $0x1, v0, vm0, $0x4038;
	[tilespmem:$0x640] =	vst v63  }
0x15: {  	_ =	swait.ge [sflag:s4], $0x190  }
0x16: {  	s30 =	sshrl.u32 s13, $0x3;
	[sflag:s4] =	ssyncset.done $0x0  }
0x17: {  	s31 =	sand.u32 $0x7, s13;
	s15 =	sadd.s32 s8, s30;
	[sflag:s4] =	ssyncadd.s32 $0xFFFFFE70  }
0x18: {  	[hbm4b:s15+s31] =	stream.linear.scatter [tilespmem:s14], [sflag:$0x3], $0x190, $0x38;
	[tilespmem:$0x640] =	vst v63  }
.LBB2_5:
0x19: {  	s15 =	sadd.s32 $0x1900, s11  }
0x1a: {  	p1 =	sgt.s32 s15, $0x270F  }
0x1b: {  	s15 =	smov.u32 @p1 s5;
	p1 =	sne.s32 s12, s9  }
.Ltmp1:
0x1c: {  	p0 =	slt.u32 s12, $0x2;
	(pc) =	sbr.rel @!p1 .LBB2_6-.Ltmp1, $4  }
0x1d: {  	s14 =	simm.s32 @!p0 $0x3  }
0x1e: {  	_ =	swait.ge @!p0 [sflag:s14], $0x190  }
0x1f: {  	s16 =	sadd.s32 $0x1, s12;
	s13 =	smov.u32 s11;
	[sflag:s14] =	ssyncset.done @!p0 $0x0  }
0x20: {  	s12 =	smov.u32 s16;
	s11 =	smov.u32 s15;
	[sflag:s14] =	ssyncadd.s32 @!p0 $0xFFFFFE70  }
.LBB2_1:
0x21: {  	p0 =	sge.u32 s12, s7  }
0x22: {  	s14 =	sxor.u32 @!p0 $0x1, s12  }
0x23: {  	s14 =	smul.u32 @!p0 $0x640, s14  }
0x24: {  	s31 =	sadd.s32 $0xFFFFFFFF, s12;
	s15 =	sshrl.u32 @!p0 s11, $0x3  }
0x25: {  	s16 =	sand.u32 @!p0 $0x7, s11;
	s15 =	sadd.s32 @!p0 s3, s15;
	s14 =	sshra.s32 @!p0 s14, $0x2  }
0x26: {  	[tilespmem:s14], [sflag:$0x2] =	stream.linear.gather @!p0 [hbm4b:s15+s16], $0x190, $0x38;
	[tilespmem:$0x640] =	vst v63  }
0x27: {  	p0 =	sge.u32 s31, s7  }
.Ltmp2:
0x28: {  	_ = 	snop;
	(pc) =	sbr.rel @p0 .LBB2_5-.Ltmp2, $1  }
0x29: {  	_ =	sdelay $0x3  }
0x2a: {  	s14 =	sand.u32 $0x1, s12  }
0x2b: {  	_ =	swait.ge [sflag:s6], $0x190;
	p0 =	seq.s32 s14, $0x1;
	s14 =	simm.s32 $0x190  }
0x2c: {  	[sflag:s6] =	ssyncset.done $0x0;
	s14 =	simm.s32 @!p0 $0x0  }
0x2d: {  	[sflag:s6] =	ssyncadd.s32 $0xFFFFFE70;
	(ifvalue) =	ssetifvalue $0x7FFFFFFF;
	v0 =	vld.msk [tilespmem:s14+$0x0 ss:$0x1], $0xffff;
	_ =	sdelay $0x4  }
0x2e: {  	s15 =	sadd.s32 $0x10, s14;
	vm1 =	vgt.s32 v0, $0x0  }
0x2f: {  	v2 =	vld.msk [tilespmem:s15+$0x0 ss:$0x1], $0xffff;
	v1 =	vnsel vm1, $0x0, v0  }
0x30: {  	v1 =	vmin.u32 v1, $0x270F;
	_ =	sdelay $0x2  }
0x31: {  	s17 =	simm.s32 $0x20;
	s14 =	sadd.s32 $0x320, s14;
	s16 =	sadd.s32 $0x10, s15  }
0x32: {  	s15 =	sadd.s32 $0x10, s14;
	s18 =	smov.u32 s14;
	v0 =	vld.msk [tilespmem:s16+$0x0 ss:$0x1], $0xffff;
	vm1 =	vgt.s32 v2, $0x0;
	(ifvalue) =	ssetifvalue $0x7FFFFFFF  }
.LBB2_3:
0x33: {  	[tilespmem:s18], [sflag:$0x1] =	stream.indirect_vreg.gather [hbm4b:s2+s10], $0x1, v1, vm0, $0x4038;
	[tilespmem:$0x640] =	vst v63  }
0x34: {  	s17 =	sadd.s32 $0x10, s17  }
0x35: {  	v2 =	vnsel vm1, $0x0, v2;
	p0 =	slt.u32 s17, $0x180  }
.Ltmp3:
0x36: {  	s18 =	smov.u32 s15;
	v1 =	vmin.u32 v2, $0x270F;
	(pc) =	sbr.rel @p0 .LBB2_3-.Ltmp3, $3  }
0x37: {  	_ =	sdelay $0x1  }
0x38: {  	s16 =	sadd.s32 $0x10, s16  }
0x39: {  	vm1 =	vgt.s32 v0, $0x0;
	s15 =	sadd.s32 $0x10, s15;
	v2 =	vmov v0;
	(ifvalue) =	ssetifvalue $0x7FFFFFFF;
	v0 =	vld.msk [tilespmem:s16+$0x0 ss:$0x1], $0xffff  }
.Ltmp4:
0x3a: {  	_ = 	snop;
	(pc) =	sbr.rel .LBB2_4-.Ltmp4, $1  }
0x3b: {  	_ =	sdelay $0x3  }
.LBB2_6:
0x3c: {  	_ =	sfence.sel $0x180000  }
0x3d: {  	s2 =	simm.s32 $0x2;
	[bflag:$0x0] =	sbarrier.arrive $0xFFFF  }
0x3e: {  	s30 =	simm.s32 $0x3;
	[sflag:s2] =	ssyncpa.u1 $0x1  }
0x3f: {  	s31 =	simm.s32 $0x1;
	[sflag:s30] =	ssyncpa.u1 $0x1  }
0x40: {  	[sflag:s31] =	ssyncpa.u1 $0x1  }
0x41: {  	p0 =	sne.s32 s1, $0x0;
	_ =	strace $0x9000004A  }
0x42: {  	s0 =	sadd.s32 @!p0 $0x100000, s0;
	[bflag:$0x2] =	sbarrier.arrive $0xFFFF  }
0x43: {  	[sflag:s0] =	ssyncadd.tile.s32 @!p0 $0x1;
	_ =	shalt  }
.Lfunc_end2:
_tile_overlayer_lowered:
.L_overlay_start_2:
0x44: {  	(tag) =	ssettag $0x2  }
0x45: {  	s0 =	rddreg [dreg:$0x0];
	s2 =	stileid.u32  }
0x46: {  	s1 =	rddreg [dreg:$0x1];
	p0 =	sne.s32 s2, $0x0  }
0x47: {  	s3 =	rddreg [dreg:$0x2];
	[bflag:$0x3] =	sbarrier.arrive $0xFFFF;
	s2 =	simm.s32 @!p0 $0x1C01  }
0x48: {  	[timem:s3], [sflag:s2] =	dma.local @!p0 [hbm:s0], s1  }
0x49: {  	s0 =	simm.s32 @!p0 $0x1  }
0x4a: {  	_ =	swait.ge @!p0 [sflag:s0], s1  }
0x4b: {  	s1 =	ssub.s32 @!p0 $0x0, s1;
	[sflag:s0] =	ssyncset.done @!p0 $0x0  }
0x4c: {  	[sflag:s0] =	ssyncadd.s32 @!p0 s1  }
0x4d: {  	[bflag:$0x3] =	sbarrier.arrive $0xFFFF  }
0x4e: {  	_ =	shalt  }

// kernel: gather_offload_async_start
scs
__scs_entry_jumppad:
0x0: {  	(pc) =	sbr.rel $0x88, $3  }
0x1: {  	(tag) =	ssettag $0x0;
	lr =	simm.s32 $0x1  }
0x2: {  	[smem:$0x3F90] =	sst lr;
	_ =	strace $0xD0000000  }
0x3: {  	_ = 	snop  }
0x4: {  	_ = 	snop  }
0x5: {  	_ = 	snop  }
0x6: {  	_ = 	snop  }
0x7: {  	_ = 	snop  }
__scs_overlays_trampoline_lowered:
0x8: {  	[smem:$0x3F9F] =	sst s0  }
0x9: {  	[smem:$0x3FA0] =	sst s1  }
0xa: {  	[smem:$0x3FA1] =	sst s2  }
0xb: {  	[smem:$0x3FA2] =	sst s3  }
0xc: {  	[smem:$0x3FA3] =	sst s4  }
0xd: {  	[smem:$0x3FA4] =	sst s5  }
0xe: {  	[smem:$0x3FA5] =	sst s6  }
0xf: {  	[smem:$0x3FA6] =	sst s7  }
0x10: {  	[smem:$0x3FA7] =	sst s8  }
0x11: {  	[smem:$0x3FA8] =	sst s9;
	s0 =	simm.s32 @!p0 $0x0  }
0x12: {  	s1 =	sld [smem:$0x3F8E];
	s0 =	simm.s32 @p0 $0x1  }
0x13: {  	[smem:$0x3FA9] =	sst s0;
	s0 =	simm.s32 @!p1 $0x0  }
0x14: {  	s2 =	sld [smem:$0x3F8D];
	s0 =	simm.s32 @p1 $0x1  }
0x15: {  	[smem:$0x3FAA] =	sst s0;
	s0 =	simm.s32 @!p2 $0x0  }
0x16: {  	s3 =	sld [smem:$0x3FDB];
	s0 =	simm.s32 @p2 $0x1  }
0x17: {  	s4 =	simm.s32 $0x1BF5;
	[smem:$0x3FAC] =	sst s0  }
0x18: {  	s0 =	sld [smem:$0x3F8F];
	_ =	swait.ge [sflag:s4], $0x0  }
0x19: {  	s7 =	sld [smem:$0x3F90]  }
0x1a: {  	s8 =	sadd.s32 $0xFFFFE003, lr  }
0x1b: {  	s9 =	sadd.s32 $0xFFFFFEF7, lr;
	s5 =	simm.s32 $0xFFFFFFFF;
	p2 =	slt.u32 s8, $0xFFFFF086  }
0x1c: {  	p1 =	slt.u32 s9, $0xF7A;
	s5 =	simm.s32 @!p2 $0x0  }
0x1d: {  	s5 =	simm.s32 @p1 $0x1;
	p0 =	seq.s32 s7, s2  }
0x1e: {  	s7 =	smul.u32 @!p0 $0xF7A, s2;
	p2 =	seq.s32 @!p0 s5, $0x0  }
0x1f: {  	s9 =	smul.u32 $0xF7A, s1;
	s8 =	simm.s32 @!p0 $0x1BF5;
	p2 =	por !p2, p0  }
0x20: {  	[sflag:s8] =	ssyncset.s32 @!p0 $0xFFFFF086;
	s6 =	sadd.s32 @!p0 s3, s7;
	s7 =	simm.s32 @!p0 $0x108  }
0x21: {  	s3 =	sadd.s32 s3, s9;
	s6 =	sadd.s32 @!p0 $0x88, s6;
	s7 =	simm.s32 @p2 $0x1082  }
0x22: {  	[simem:s7], [sflag:s8] =	dma.local @!p0 [hbm:s6], $0xF7A  }
0x23: {  	s9 =	sor.u32 $0xD0000000, s2;
	s6 =	simm.s32 $0x108;
	_ =	swait.ge @!p0 [sflag:s8], $0x0  }
0x24: {  	s3 =	sadd.s32 $0x88, s3;
	s6 =	simm.s32 @!p1 $0x1082;
	[sflag:s4] =	ssyncset.s32 $0xFFFFF086  }
0x25: {  	[simem:s6], [sflag:s4] =	dma.local [hbm:s3], $0xF7A  }
0x26: {  	[smem:$0x3F90] =	sst s1;
	(tag) =	ssettag s2;
	_ =	strace s9  }
0x27: {  	s1 =	sld [smem:$0x3FA0]  }
0x28: {  	s2 =	sld [smem:$0x3FA1]  }
0x29: {  	s4 =	sld [smem:$0x3FA3]  }
0x2a: {  	p0 =	seq.s32 s5, $0x0;
	s5 =	sld [smem:$0x3FA4]  }
0x2b: {  	s6 =	sld [smem:$0x3FA5]  }
0x2c: {  	s7 =	sld [smem:$0x3FA6]  }
0x2d: {  	s3 =	simm.s32 $0x108;
	s8 =	sld [smem:$0x3FA7]  }
0x2e: {  	s3 =	simm.s32 @!p0 $0x1082;
	s9 =	sld [smem:$0x3FA8]  }
0x2f: {  	lr =	sadd.s32 s0, s3;
	s0 =	sld [smem:$0x3F9F]  }
0x30: {  	s3 =	sld [smem:$0x3FA2]  }
0x31: {  	[smem:$0x3FAB] =	sst s10  }
0x32: {  	s10 =	sld [smem:$0x3FA9];
	_ =	sdelay $0x3  }
0x33: {  	p0 =	seq.s32 s10, $0x1;
	s10 =	sld [smem:$0x3FAB];
	_ =	sdelay $0x3  }
0x34: {  	[smem:$0x3FAB] =	sst s10  }
0x35: {  	s10 =	sld [smem:$0x3FAA];
	_ =	sdelay $0x3  }
0x36: {  	p1 =	seq.s32 s10, $0x1;
	s10 =	sld [smem:$0x3FAB];
	_ =	sdelay $0x3  }
0x37: {  	[smem:$0x3FAB] =	sst s10  }
0x38: {  	s10 =	sld [smem:$0x3FAC]  }
0x39: {  	_ = 	snop;
	(pc) =	sbr.ind lr, $3  }
0x3a: {  	_ = 	snop  }
0x3b: {  	_ = 	snop  }
0x3c: {  	p2 =	seq.s32 s10, $0x1;
	s10 =	sld [smem:$0x3FAB]  }
0x3d: {  	_ =	shalt  }
0x3e: {  	_ =	shalt  }
0x3f: {  	_ =	shalt  }
0x40: {  	_ =	shalt  }
0x41: {  	_ =	shalt  }
0x42: {  	_ =	shalt  }
0x43: {  	_ =	shalt  }
0x44: {  	_ =	shalt  }
0x45: {  	_ =	shalt  }
0x46: {  	_ =	shalt  }
0x47: {  	_ =	shalt  }
0x48: {  	_ =	shalt  }
0x49: {  	_ =	shalt  }
0x4a: {  	_ =	shalt  }
0x4b: {  	_ =	shalt  }
0x4c: {  	_ =	shalt  }
0x4d: {  	_ =	shalt  }
0x4e: {  	_ =	shalt  }
0x4f: {  	_ =	shalt  }
0x50: {  	_ =	shalt  }
0x51: {  	_ =	shalt  }
0x52: {  	_ =	shalt  }
0x53: {  	_ =	shalt  }
0x54: {  	_ =	shalt  }
0x55: {  	_ =	shalt  }
0x56: {  	_ =	shalt  }
0x57: {  	_ =	shalt  }
0x58: {  	_ =	shalt  }
0x59: {  	_ =	shalt  }
0x5a: {  	_ =	shalt  }
0x5b: {  	_ =	shalt  }
0x5c: {  	_ =	shalt  }
0x5d: {  	_ =	shalt  }
0x5e: {  	_ =	shalt  }
0x5f: {  	_ =	shalt  }
0x60: {  	_ =	shalt  }
0x61: {  	_ =	shalt  }
0x62: {  	_ =	shalt  }
0x63: {  	_ =	shalt  }
0x64: {  	_ =	shalt  }
0x65: {  	_ =	shalt  }
0x66: {  	_ =	shalt  }
0x67: {  	_ =	shalt  }
0x68: {  	_ =	shalt  }
0x69: {  	_ =	shalt  }
0x6a: {  	_ =	shalt  }
0x6b: {  	_ =	shalt  }
0x6c: {  	_ =	shalt  }
0x6d: {  	_ =	shalt  }
0x6e: {  	_ =	shalt  }
0x6f: {  	_ =	shalt  }
0x70: {  	_ =	shalt  }
0x71: {  	_ =	shalt  }
0x72: {  	_ =	shalt  }
0x73: {  	_ =	shalt  }
0x74: {  	_ =	shalt  }
0x75: {  	_ =	shalt  }
0x76: {  	_ =	shalt  }
0x77: {  	_ =	shalt  }
0x78: {  	_ =	shalt  }
0x79: {  	_ =	shalt  }
0x7a: {  	_ =	shalt  }
0x7b: {  	_ =	shalt  }
0x7c: {  	_ =	shalt  }
0x7d: {  	_ =	shalt  }
0x7e: {  	_ =	shalt  }
0x7f: {  	_ =	shalt  }
0x80: {  	_ =	shalt  }
0x81: {  	_ =	shalt  }
0x82: {  	_ =	shalt  }
0x83: {  	_ =	shalt  }
0x84: {  	_ =	shalt  }
0x85: {  	_ =	shalt  }
0x86: {  	_ =	shalt  }
0x87: {  	_ =	shalt  }
.Lfunc_end0:
.L_simem_size_0:
called_computation_lowered:
.L_overlay_start_0:
0x88: {  	s0 =	sld [smem:$0x3FD9]  }
0x89: {  	s1 =	sld [smem:$0x3FFE];
	_ =	sdelay $0x3  }
0x8a: {  	s0 =	sadd.s32 s1, s0  }
0x8b: {  	[smem:$0x3FB7] =	sst s0  }
0x8c: {  	_ = 	snop  }
0x8d: {  	s0 =	sld [smem:$0x3FD0];
	_ =	sdelay $0x2  }
0x8e: {  	s2 =	simm.s32 $0xA;
	s3 =	simm.s32 $0x10;
	s14 =	sld [smem:$0x3FC7]  }
0x8f: {  	[smem:s3], [sflag:s2] =	dma.local [hbm:s0], $0x1  }
0x90: {  	_ =	swait.eq [sflag:s2], $0x1  }
0x91: {  	[sflag:s2] =	ssyncset.done $0x0  }
0x92: {  	s15 =	sld [smem:$0x10];
	[sflag:s2] =	ssyncadd.s32 $0xFFFFFFFF  }
0x93: {  	s16 =	sld [smem:$0x11];
	(tm) =	ssettm $0x1  }
0x94: {  	s17 =	sld [smem:$0x3FFB];
	_ =	sdelay $0x3  }
0x95: {  	_ =	strace s17  }
0x96: {  	s3 =	sld [smem:$0x3FFC];
	_ =	sdelay $0x3  }
0x97: {  	_ =	strace s3  }
0x98: {  	s3 =	sld [smem:$0x3FFD];
	_ =	sdelay $0x3  }
0x99: {  	_ =	strace s3  }
0x9a: {  	_ =	strace $0x8FFFFFFF  }
0x9b: {  	s18 =	sld [smem:$0x3FDB];
	_ =	sdelay $0x1  }
0x9c: {  	s4 =	simm.s32 $_scs_section_size  }
0x9d: {  	s5 =	simm.s32 $_size__tile_overlayer_lowered;
	s6 =	simm.s32 $_tile_overlayer_lowered  }
0x9e: {  	s21 =	simm.s32 $0x1BFF;
	s20 =	sshll.u32 s6, $0x1;
	s3 =	sadd.s32 s4, s18  }
0x9f: {  	s7 =	simm.s32 $0x0;
	s19 =	sshll.u32 s5, $0x1;
	s5 =	sadd.s32 s20, s3  }
0xa0: {  	[timem:s7], [sflag:s21] =	dma.local [hbm:s5], s19  }
0xa1: {  	_ =	swait.ge [sflag:s21], s19  }
0xa2: {  	s4 =	ssub.s32 $0x0, s19;
	[sflag:s21] =	ssyncset.done $0x0  }
0xa3: {  	[sflag:s21] =	ssyncadd.s32 s4;
	_ =	sdelay $0x1  }
0xa4: {  	s22 =	simm.s32 $0x1B8B  }
0xa5: {  	_ =	swait.ge [sflag:s22], $0x1  }
0xa6: {  	[sflag:s22] =	ssyncset.done $0x0  }
0xa7: {  	s23 =	simm.s32 $0x1B8E;
	[sflag:s22] =	ssyncadd.s32 $0xFFFFFFFF  }
0xa8: {  	s24 =	simm.s32 $execute0_lowered;
	[smem:$0x3FD2] =	sst s23  }
0xa9: {  	s4 =	sshll.u32 s24, $0x1;
	_ =	strace $0x80000046;
	[dreg:$0x1] =	wrdreg $0xFFFFFFFF  }
0xaa: {  	s25 =	simm.s32 $_size_execute0_lowered;
	s3 =	sadd.s32 s3, s4;
	[dreg:$0x0] =	wrdreg $0x0  }
0xab: {  	s4 =	sshll.u32 s25, $0x1;
	[dreg:$0x2] =	wrdreg s3  }
0xac: {  	[dreg:$0x3] =	wrdreg s4  }
0xad: {  	[dreg:$0x4] =	wrdreg $0xC0  }
0xae: {  	_ =	task [dreg:s7], $0x5FFFF  }
0xaf: {  	[dreg:$0x1] =	wrdreg $0xFFFFFFFF  }
0xb0: {  	[dreg:$0x0] =	wrdreg $0x60  }
0xb1: {  	[dreg:$0x2] =	wrdreg s14  }
0xb2: {  	[dreg:$0x3] =	wrdreg s16  }
0xb3: {  	[dreg:$0x4] =	wrdreg s15  }
0xb4: {  	[dreg:$0x5] =	wrdreg $0x9  }
0xb5: {  	_ =	task.clear_ibuf [dreg:s7], $0x6FFFF;
	_ =	strace $0x90000046  }
0xb6: {  	s26 =	simm.s32 $0x9;
	_ =	strace $0x80000048  }
0xb7: {  	_ =	swait.ge [sflag:s26], $0x1  }
0xb8: {  	[sflag:s26] =	ssyncadd.s32 $0xFFFFFFFF  }
0xb9: {  	_ =	strace $0x90000048  }
0xba: {  	_ =	sfence  }
0xbb: {  	s28 =	sld [smem:$0x0];
	_ =	sdelay $0x1  }
0xbc: {  	s29 =	srdreg.scid  }
0xbd: {  	s30 =	sshll.u32 s29, $0xD;
	s31 =	sshrl.u32 s29, $0x2  }
0xbe: {  	s1 =	sand.u32 $0x1, s29;
	s2 =	sand.u32 $0x4000, s30;
	s0 =	sadd.s32 s31, s28  }
0xbf: {  	s1 =	sor.u32 s2, s1;
	s0 =	sshll.u32 s0, $0x11  }
0xc0: {  	s0 =	sor.u32 s0, s1  }
0xc1: {  	s0 =	sadd.s32 $0x8F2B, s0  }
0xc2: {  	[sflag:s0] =	ssyncadd.remote.s32 $0x1  }
0xc3: {  	_ =	sfence.sel $0xFFFF  }
0xc4: {  	[dreg:$0x0] =	wrdreg $0xFFFFFFFF;
	(pc) =	sbr.abs _section_cstart, $3  }
0xc5: {  	[dreg:$0x1] =	wrdreg $0xFFFFFFFF  }
0xc6: {  	_ =	task.clear_ibuf [dreg:s7], $0x2FFFF;
	_ =	strace $0x9FFFFFFF  }
0xc7: {  	(tm) =	ssettm $0x7FFFFFFF  }
tec
execute0_lowered:
.L_overlay_start_1:
0x0: {  	(tag) =	ssettag $0x1  }
0x1: {  	s2 =	rddreg [dreg:$0x0]  }
0x2: {  	s3 =	rddreg [dreg:$0x1]  }
0x3: {  	s4 =	rddreg [dreg:$0x2]  }
0x4: {  	s0 =	rddreg [dreg:$0x3];
	_ =	strace $0x80000047  }
0x5: {  	s5 =	simm.s32 $0x1;
	s1 =	stileid.u32;
	s8 =	simm.s32 $0x1  }
0x6: {  	s9 =	simm.s32 $0x1;
	s7 =	simm.s32 $0x2;
	s10 =	simm.s32 $0x3  }
.Ltmp0:
0x7: {  	s13 =	simm.s32 $0x0;
	p0 =	slt.u32 s1, $0xA;
	(pc) =	sbr.rel .LBB2_1-.Ltmp0, $4  }
0x8: {  	[sflag:s5] =	ssyncpa.u1 $0x0;
	s8 =	simm.s32 @!p0 $0x0;
	p0 =	sne.s32 s1, $0x9  }
0x9: {  	s6 =	smul.u32 $0x190, s1;
	[sflag:s7] =	ssyncpa.u1 $0x0;
	s9 =	simm.s32 @!p0 $0x0  }
0xa: {  	s12 =	simm.s32 $0x0;
	[sflag:s10] =	ssyncpa.u1 $0x0;
	s8 =	sadd.s32 s9, s8  }
0xb: {  	vm0 =	vmmov $0xffff;
	s10 =	simm.s32 $0x0;
	s11 =	smov.u32 s6;
	s9 =	sadd.s32 $0x1, s8  }
.LBB2_4:
0xc: {  	v2 =	vnsel vm1, $0x0, v2  }
0xd: {  	vm1 =	vgt.s32 v0, $0x0;
	v2 =	vmin.u32 v2, $0x270F  }
0xe: {  	v0 =	vnsel vm1, $0x0, v0  }
0xf: {  	v0 =	vmin.u32 v0, $0x270F  }
0x10: {  	[tilespmem:s18], [sflag:$0x1] =	stream.indirect_vreg.gather [hbm4b:s2+s10], $0x1, v1, vm0, $0x4038;
	[tilespmem:$0x640] =	vst v63  }
0x11: {  	(ifvalue) =	ssetifvalue $0x7FFFFFFF  }
0x12: {  	[tilespmem:s15], [sflag:$0x1] =	stream.indirect_vreg.gather [hbm4b:s2+s10], $0x1, v2, vm0, $0x4038;
	[tilespmem:$0x640] =	vst v63  }
0x13: {  	s29 =	sadd.s32 $0x10, s15;
	(ifvalue) =	ssetifvalue $0x7FFFFFFF  }
0x14: {  	[tilespmem:s29], [sflag:$0x1] =	stream.indirect_vreg.gather [hbm4b:s2+s10], $0x1, v0, vm0, $0x4038;
	[tilespmem:$0x640] =	vst v63  }
0x15: {  	_ =	swait.ge [sflag:s5], $0x190  }
0x16: {  	s30 =	sshrl.u32 s13, $0x3;
	[sflag:s5] =	ssyncset.done $0x0  }
0x17: {  	s31 =	sand.u32 $0x7, s13;
	s15 =	sadd.s32 s4, s30;
	[sflag:s5] =	ssyncadd.s32 $0xFFFFFE70  }
0x18: {  	[hbm4b:s15+s31] =	stream.linear.scatter [tilespmem:s14], [sflag:$0x3], $0x190, $0x38;
	[tilespmem:$0x640] =	vst v63  }
.LBB2_5:
0x19: {  	s15 =	sadd.s32 $0x1900, s11  }
0x1a: {  	p1 =	sgt.s32 s15, $0x270F  }
0x1b: {  	s15 =	smov.u32 @p1 s6;
	p1 =	sne.s32 s12, s9  }
.Ltmp1:
0x1c: {  	p0 =	slt.u32 s12, $0x2;
	(pc) =	sbr.rel @!p1 .LBB2_6-.Ltmp1, $4  }
0x1d: {  	s14 =	simm.s32 @!p0 $0x3  }
0x1e: {  	_ =	swait.ge @!p0 [sflag:s14], $0x190  }
0x1f: {  	s16 =	sadd.s32 $0x1, s12;
	s13 =	smov.u32 s11;
	[sflag:s14] =	ssyncset.done @!p0 $0x0  }
0x20: {  	s12 =	smov.u32 s16;
	s11 =	smov.u32 s15;
	[sflag:s14] =	ssyncadd.s32 @!p0 $0xFFFFFE70  }
.LBB2_1:
0x21: {  	p0 =	sge.u32 s12, s8  }
0x22: {  	s14 =	sxor.u32 @!p0 $0x1, s12  }
0x23: {  	s14 =	smul.u32 @!p0 $0x640, s14  }
0x24: {  	s31 =	sadd.s32 $0xFFFFFFFF, s12;
	s15 =	sshrl.u32 @!p0 s11, $0x3  }
0x25: {  	s16 =	sand.u32 @!p0 $0x7, s11;
	s15 =	sadd.s32 @!p0 s3, s15;
	s14 =	sshra.s32 @!p0 s14, $0x2  }
0x26: {  	[tilespmem:s14], [sflag:$0x2] =	stream.linear.gather @!p0 [hbm4b:s15+s16], $0x190, $0x38;
	[tilespmem:$0x640] =	vst v63  }
0x27: {  	p0 =	sge.u32 s31, s8  }
.Ltmp2:
0x28: {  	_ = 	snop;
	(pc) =	sbr.rel @p0 .LBB2_5-.Ltmp2, $1  }
0x29: {  	_ =	sdelay $0x3  }
0x2a: {  	s14 =	sand.u32 $0x1, s12  }
0x2b: {  	_ =	swait.ge [sflag:s7], $0x190;
	p0 =	seq.s32 s14, $0x1;
	s14 =	simm.s32 $0x190  }
0x2c: {  	[sflag:s7] =	ssyncset.done $0x0;
	s14 =	simm.s32 @!p0 $0x0  }
0x2d: {  	[sflag:s7] =	ssyncadd.s32 $0xFFFFFE70;
	(ifvalue) =	ssetifvalue $0x7FFFFFFF;
	v0 =	vld.msk [tilespmem:s14+$0x0 ss:$0x1], $0xffff;
	_ =	sdelay $0x4  }
0x2e: {  	s15 =	sadd.s32 $0x10, s14;
	vm1 =	vgt.s32 v0, $0x0  }
0x2f: {  	v2 =	vld.msk [tilespmem:s15+$0x0 ss:$0x1], $0xffff;
	v1 =	vnsel vm1, $0x0, v0  }
0x30: {  	v1 =	vmin.u32 v1, $0x270F;
	_ =	sdelay $0x2  }
0x31: {  	s17 =	simm.s32 $0x20;
	s14 =	sadd.s32 $0x320, s14;
	s16 =	sadd.s32 $0x10, s15  }
0x32: {  	s15 =	sadd.s32 $0x10, s14;
	s18 =	smov.u32 s14;
	v0 =	vld.msk [tilespmem:s16+$0x0 ss:$0x1], $0xffff;
	vm1 =	vgt.s32 v2, $0x0;
	(ifvalue) =	ssetifvalue $0x7FFFFFFF  }
.LBB2_3:
0x33: {  	[tilespmem:s18], [sflag:$0x1] =	stream.indirect_vreg.gather [hbm4b:s2+s10], $0x1, v1, vm0, $0x4038;
	[tilespmem:$0x640] =	vst v63  }
0x34: {  	s17 =	sadd.s32 $0x10, s17  }
0x35: {  	v2 =	vnsel vm1, $0x0, v2;
	p0 =	slt.u32 s17, $0x180  }
.Ltmp3:
0x36: {  	s18 =	smov.u32 s15;
	v1 =	vmin.u32 v2, $0x270F;
	(pc) =	sbr.rel @p0 .LBB2_3-.Ltmp3, $3  }
0x37: {  	_ =	sdelay $0x1  }
0x38: {  	s16 =	sadd.s32 $0x10, s16  }
0x39: {  	vm1 =	vgt.s32 v0, $0x0;
	s15 =	sadd.s32 $0x10, s15;
	v2 =	vmov v0;
	(ifvalue) =	ssetifvalue $0x7FFFFFFF;
	v0 =	vld.msk [tilespmem:s16+$0x0 ss:$0x1], $0xffff  }
.Ltmp4:
0x3a: {  	_ = 	snop;
	(pc) =	sbr.rel .LBB2_4-.Ltmp4, $1  }
0x3b: {  	_ =	sdelay $0x3  }
.LBB2_6:
0x3c: {  	_ =	sfence.sel $0x180000  }
0x3d: {  	s2 =	simm.s32 $0x2;
	[bflag:$0x0] =	sbarrier.arrive $0xFFFF  }
0x3e: {  	s30 =	simm.s32 $0x3;
	[sflag:s2] =	ssyncpa.u1 $0x1  }
0x3f: {  	s31 =	simm.s32 $0x1;
	[sflag:s30] =	ssyncpa.u1 $0x1  }
0x40: {  	[sflag:s31] =	ssyncpa.u1 $0x1  }
0x41: {  	p0 =	sne.s32 s1, $0x0;
	_ =	strace $0x90000047  }
0x42: {  	s0 =	sadd.s32 @!p0 $0x100000, s0;
	[bflag:$0x2] =	sbarrier.arrive $0xFFFF  }
0x43: {  	[sflag:s0] =	ssyncadd.tile.s32 @!p0 $0x1;
	_ =	shalt  }
.Lfunc_end2:
_tile_overlayer_lowered:
.L_overlay_start_2:
0x44: {  	(tag) =	ssettag $0x2  }
0x45: {  	s0 =	rddreg [dreg:$0x0];
	s2 =	stileid.u32  }
0x46: {  	s1 =	rddreg [dreg:$0x1];
	p0 =	sne.s32 s2, $0x0  }
0x47: {  	s3 =	rddreg [dreg:$0x2];
	[bflag:$0x3] =	sbarrier.arrive $0xFFFF;
	s2 =	simm.s32 @!p0 $0x1C01  }
0x48: {  	[timem:s3], [sflag:s2] =	dma.local @!p0 [hbm:s0], s1  }
0x49: {  	s0 =	simm.s32 @!p0 $0x1  }
0x4a: {  	_ =	swait.ge @!p0 [sflag:s0], s1  }
0x4b: {  	s1 =	ssub.s32 @!p0 $0x0, s1;
	[sflag:s0] =	ssyncset.done @!p0 $0x0  }
0x4c: {  	[sflag:s0] =	ssyncadd.s32 @!p0 s1  }
0x4d: {  	[bflag:$0x3] =	sbarrier.arrive $0xFFFF  }
0x4e: {  	_ =	shalt  }

</sc_bundles>
